<compile_context>
chip_gen: v7x
topology: tpu7x:2x2x1
jax: 0.10.2.dev20260603
libtpu: 0.0.44.dev20260713+nightly
codegen_flags: <defaults>
</compile_context>

<pallas_src>
import functools

import jax
import jax.numpy as jnp
from jax import lax
from jax.experimental import pallas as pl
from jax.experimental.pallas import tpu as pltpu
from jax.experimental.pallas import tpu_sc as plsc

_N_NODES = 10000
_N_EDGES = 320000
_N_GRAPHS = 64
_D = 128
_NC = 2
_NS = 16
_N_PAD = 10240
_KEYS = _N_PAD * _N_GRAPHS
_SLICE = _KEYS // _NS
_EPT = _N_EDGES // (_NC * _NS)
_EPTP = 10240
_EWIN = 10496
_ICH = 128
_NCH = _EPTP // _ICH
_PADKEY = _KEYS - 1


def _hist_body(edge_hbm, batch_hbm, out_hbm,
               batch_v, ebuf_v, key_v, ones_v, stage_v, c_sh,
               sem, semb, seme):
    cid = lax.axis_index("c")
    sid = lax.axis_index("s")
    t = cid * _NS + sid
    nominal = t * _EPT
    start = pl.multiple_of(
        jnp.minimum(nominal - lax.rem(nominal, 128), _N_EDGES - _EWIN), 128)
    loff = nominal - start

    bcopy = pltpu.async_copy(batch_hbm, batch_v, semb)
    ecopy = pltpu.async_copy(edge_hbm.at[:, pl.ds(start, _EWIN)], ebuf_v, seme)

    for i in range(0, _ICH, 16):
        ones_v[pl.ds(i, 16)] = jnp.ones((16,), jnp.float32)

    def _zero(i, carry):
        stage_v[pl.ds(i * 16, 16)] = jnp.zeros((16,), jnp.float32)
        return carry

    lax.fori_loop(0, _SLICE // 16, _zero, 0, unroll=8)
    pltpu.sync_copy(stage_v, c_sh.at[pl.ds(sid * _SLICE, _SLICE)])
    bcopy.wait()
    ecopy.wait()
    plsc.subcore_barrier()

    lane = lax.broadcasted_iota(jnp.int32, (16,), 0)
    padkey = jnp.full((16,), _PADKEY, jnp.int32)

    def _keys(j, carry):
        for u in range(_ICH // 16):
            e0 = j * _ICH + u * 16
            off = jnp.minimum(loff + e0, _EWIN - 16)
            sv = ebuf_v[0, pl.ds(off, 16)]
            dv = ebuf_v[1, pl.ds(off, 16)]
            ge = plsc.load_gather(batch_v, [dv])
            real = (e0 + lane) < _EPT
            key_v[j, pl.ds(u * 16, 16)] = jnp.where(
                real, sv * _N_GRAPHS + ge, padkey)
        pltpu.async_copy(ones_v, c_sh.at[key_v.at[j]], sem, add=True)
        return carry

    lax.fori_loop(0, _NCH, _keys, 0)

    def _drain(j, carry):
        pltpu.make_async_copy(ones_v, c_sh.at[key_v.at[0]], sem).wait()
        return carry

    lax.fori_loop(0, _NCH, _drain, 0)

    plsc.subcore_barrier()

    pltpu.sync_copy(c_sh.at[pl.ds(sid * _SLICE, _SLICE)],
                    out_hbm.at[pl.ds(cid * _KEYS + sid * _SLICE, _SLICE)])


@functools.cache
def _edge_hist():
    return functools.partial(
        pl.kernel,
        mesh=plsc.VectorSubcoreMesh(core_axis_name="c", subcore_axis_name="s"),
        out_type=jax.ShapeDtypeStruct((_NC * _KEYS,), jnp.float32),
        compiler_params=pltpu.CompilerParams(needs_layout_passes=False),
        scratch_types=[
            pltpu.VMEM((_N_NODES,), jnp.int32),
            pltpu.VMEM((2, _EWIN), jnp.int32),
            pltpu.VMEM((_NCH, _ICH), jnp.int32),
            pltpu.VMEM((_ICH,), jnp.float32),
            pltpu.VMEM((_SLICE,), jnp.float32),
            pltpu.VMEM_SHARED((_KEYS,), jnp.float32),
            pltpu.SemaphoreType.DMA,
            pltpu.SemaphoreType.DMA,
            pltpu.SemaphoreType.DMA,
        ],
    )(_hist_body)


def _pool_a_body(x_ref, b_ref, m2_ref, ncol_ref):
    f32 = jnp.float32
    giota = lax.broadcasted_iota(jnp.int32, (_N_GRAPHS, _N_NODES), 0)
    onehot_t = (b_ref[...] == giota).astype(f32)
    dn1 = (((1,), (0,)), ((), ()))
    m2_ref[...] = lax.dot_general(onehot_t, x_ref[...], dn1,
                                  preferred_element_type=f32)
    ncol_ref[...] = jnp.sum(onehot_t, axis=1, keepdims=True)


def _pool_b_body(x_ref, cp_ref, m2_ref, ncol_ref, wrel_ref, brel_ref,
                 wroot_ref, wlin_ref, blin_ref, out_ref):
    f32 = jnp.float32
    hi = lax.Precision.HIGHEST
    csum = (cp_ref[pl.ds(0, _N_PAD // 2), :]
            + cp_ref[pl.ds(_N_PAD // 2, _N_PAD // 2), :])[:_N_NODES // 2]
    xr = x_ref[...].reshape(_N_NODES // 2, 2 * _D)
    dn0 = (((0,), (0,)), ((), ()))
    m1 = (lax.dot_general(csum[:, :_N_GRAPHS], xr[:, :_D], dn0, precision=hi,
                          preferred_element_type=f32)
          + lax.dot_general(csum[:, _N_GRAPHS:], xr[:, _D:], dn0, precision=hi,
                            preferred_element_type=f32))
    ncol = ncol_ref[...]
    dc = (((1,), (1,)), ((), ()))
    sums = (lax.dot_general(m1, wrel_ref[...], dc, precision=hi,
                            preferred_element_type=f32)
            + lax.dot_general(m2_ref[...], wroot_ref[...], dc, precision=hi,
                              preferred_element_type=f32)
            + ncol * brel_ref[...])
    pooled = sums / jnp.maximum(ncol, 1.0)
    out_ref[...] = (lax.dot_general(pooled, wlin_ref[...], dc, precision=hi,
                                    preferred_element_type=f32)
                    + blin_ref[...])


def kernel(x, edge_index, batch, W_rel, b_rel, W_root, W_lin, b_lin):
    n_classes = W_lin.shape[0]
    cflat = _edge_hist()(edge_index, batch)
    cview = cflat.reshape(_N_PAD, _D)
    pool_a = pl.pallas_call(
        _pool_a_body,
        out_shape=(jax.ShapeDtypeStruct((_N_GRAPHS, _D), jnp.float32),
                   jax.ShapeDtypeStruct((_N_GRAPHS, 1), jnp.float32)),
    )
    m2, ncol = pool_a(x, batch.reshape(1, _N_NODES))
    pool_b = pl.pallas_call(
        _pool_b_body,
        out_shape=jax.ShapeDtypeStruct((_N_GRAPHS, n_classes), jnp.float32),
    )
    return pool_b(x, cview, m2, ncol, W_rel, b_rel.reshape(1, -1), W_root,
                  W_lin, b_lin.reshape(1, -1))

# --- scband reference (transcript-rebuilt; emitter-appended) ---
"""Pipeline reference for scband-gcnss-48593259987023 (READ-ONLY COPY).

The authoritative reference and input builder live on the scoring server;
editing this copy changes nothing except your own understanding.
"""

import jax, jax.numpy as jnp
import numpy as np

N_NODES = 10000
N_EDGES = 320000
D_FEAT = 128
HIDDEN = 128
N_CLASSES = 10
N_GRAPHS = 64

def setup_inputs(seed: int = 0) -> dict:
    key = jax.random.key(seed)
    ks = jax.random.split(key, 8)
    x = jax.random.normal(ks[0], (N_NODES, D_FEAT), dtype=jnp.float32)
    edge_index = jax.random.randint(ks[1], (2, N_EDGES), 0, N_NODES, dtype=jnp.int64 if jax.config.jax_enable_x64 else jnp.int32).astype(jnp.int32)
    batch = jnp.sort(jax.random.randint(ks[2], (N_NODES,), 0, N_GRAPHS)).astype(jnp.int32)
    # GraphConv params: lin_rel (with bias) applied to aggregated neighbors, lin_root (no bias) applied to self
    W_rel = jax.random.normal(ks[3], (HIDDEN, D_FEAT), dtype=jnp.float32) * 0.05
    b_rel = jnp.zeros((HIDDEN,), dtype=jnp.float32)
    W_root = jax.random.normal(ks[4], (HIDDEN, D_FEAT), dtype=jnp.float32) * 0.05
    # final classifier Linear
    W_lin = jax.random.normal(ks[5], (N_CLASSES, HIDDEN), dtype=jnp.float32) * 0.05
    b_lin = jnp.zeros((N_CLASSES,), dtype=jnp.float32)
    return {"x": x, "edge_index": edge_index, "batch": batch,
            "W_rel": W_rel, "b_rel": b_rel, "W_root": W_root,
            "W_lin": W_lin, "b_lin": b_lin}

def reference(x, edge_index, batch, W_rel, b_rel, W_root, W_lin, b_lin):
    src = edge_index[0]
    dst = edge_index[1]
    # GraphConv with aggr='add': out_i = lin_rel(sum_{j->i} x_j) + lin_root(x_i)
    aggr = jax.ops.segment_sum(jnp.take(x, src, axis=0), dst, num_segments=N_NODES)
    h = aggr @ W_rel.T + b_rel + x @ W_root.T
    # global_mean_pool over graph ids
    sums = jax.ops.segment_sum(h, batch, num_segments=N_GRAPHS)
    counts = jax.ops.segment_sum(jnp.ones((h.shape[0],), dtype=h.dtype), batch, num_segments=N_GRAPHS)
    pooled = sums / jnp.clip(counts, 1.0, None)[:, None]
    # dropout p=0.5 is identity in eval mode
    out = pooled @ W_lin.T + b_lin
    return out

if __name__ == "__main__":
    import jax
    _d = setup_inputs()
    print(jax.jit(kernel)(*tuple(_d.values())))

</pallas_src>

<mosaic_0001>
#map = affine_map<(d0, d1) -> (0, 0)>
#map1 = affine_map<(d0, d1) -> (0)>
module attributes {stable_mosaic.version = 14 : i64} {
  func.func @_hist_body(%arg0: i32, %arg1: i32, %arg2: memref<2x320000xi32, #tpu.memory_space<hbm>>, %arg3: memref<10000xi32, #tpu.memory_space<hbm>>, %arg4: memref<1310720xf32, #tpu.memory_space<hbm>>, %arg5: memref<10000xi32, #tpu.memory_space<vmem>>, %arg6: memref<2x10496xi32, #tpu.memory_space<vmem>>, %arg7: memref<80x128xi32, #tpu.memory_space<vmem>>, %arg8: memref<128xf32, #tpu.memory_space<vmem>>, %arg9: memref<40960xf32, #tpu.memory_space<vmem>>, %arg10: memref<655360xf32, #tpu.memory_space<vmem_shared>>, %arg11: memref<!tpu.dma_semaphore, #tpu.memory_space<semaphore_mem>>, %arg12: memref<!tpu.dma_semaphore, #tpu.memory_space<semaphore_mem>>, %arg13: memref<!tpu.dma_semaphore, #tpu.memory_space<semaphore_mem>>) attributes {dimension_semantics = [#tpu.dimension_semantics<core_parallel>, #tpu.dimension_semantics<subcore_parallel>], iteration_bounds = array<i64: 2, 16>, scalar_prefetch = 0 : i64, scratch_operands = 9 : i64, tpu.core_type = #tpu.core_type<sc_vector_subcore>, window_params = [{transform_indices = #map}, {transform_indices = #map1}, {transform_indices = #map1}]} {
    %mul3A = arith.constant 16 : i32
    %mul3A_0 = arith.muli %arg0, %mul3A : i32
    %add3A = arith.addi %mul3A_0, %arg1 : i32
    %mul3A_1 = arith.constant 10000 : i32
    %mul3A_2 = arith.muli %add3A, %mul3A_1 : i32
    %rem3A = arith.constant 128 : i32
    %rem3A_3 = arith.remsi %mul3A_2, %rem3A : i32
    %sub3A = arith.subi %mul3A_2, %rem3A_3 : i32
    %min3A = arith.constant 309504 : i32
    %min3A_4 = arith.minsi %sub3A, %min3A : i32
    %multiple_of3A = tpu.assume_multiple %min3A_4, 128 : i32
    %sub3A_5 = arith.subi %mul3A_2, %multiple_of3A : i32
    tpu.enqueue_dma source(%arg3 : memref<10000xi32, #tpu.memory_space<hbm>>) target(%arg5 : memref<10000xi32, #tpu.memory_space<vmem>>) target_semaphore(%arg12 : memref<!tpu.dma_semaphore, #tpu.memory_space<semaphore_mem>>)
    %dma_start3A = arith.constant 0 : i32
    %dma_start3A_6 = tpu.memref_slice %arg2[%dma_start3A, %multiple_of3A] : memref<2x320000xi32, #tpu.memory_space<hbm>> -> memref<2x10496xi32, #tpu.memory_space<hbm>>
    %dma_start3A_7 = arith.constant 0 : i32
    %dma_start3A_8 = tpu.memref_slice %arg2[%dma_start3A_7, %multiple_of3A] : memref<2x320000xi32, #tpu.memory_space<hbm>> -> memref<2x10496xi32, #tpu.memory_space<hbm>>
    tpu.enqueue_dma source(%dma_start3A_8 : memref<2x10496xi32, #tpu.memory_space<hbm>>) target(%arg6 : memref<2x10496xi32, #tpu.memory_space<vmem>>) target_semaphore(%arg13 : memref<!tpu.dma_semaphore, #tpu.memory_space<semaphore_mem>>)
    %broadcast_in_dim3A = arith.constant 1.000000e+00 : f32
    %broadcast_in_dim3A_9 = vector.broadcast %broadcast_in_dim3A : f32 to vector<16xf32>
    %swap3A = arith.constant 0 : index
    %swap3A_10 = tpu.vector_load %arg8[%swap3A] {strides = array<i32>} : memref<128xf32, #tpu.memory_space<vmem>>, vector<16xf32>,
    tpu.vector_store %arg8[%swap3A], %broadcast_in_dim3A_9 {strides = array<i32>} : memref<128xf32, #tpu.memory_space<vmem>>, vector<16xf32>,
    %broadcast_in_dim3A_11 = arith.constant 1.000000e+00 : f32
    %broadcast_in_dim3A_12 = vector.broadcast %broadcast_in_dim3A_11 : f32 to vector<16xf32>
    %swap3A_13 = arith.constant 16 : index
    %swap3A_14 = tpu.vector_load %arg8[%swap3A_13] {strides = array<i32>} : memref<128xf32, #tpu.memory_space<vmem>>, vector<16xf32>,
    tpu.vector_store %arg8[%swap3A_13], %broadcast_in_dim3A_12 {strides = array<i32>} : memref<128xf32, #tpu.memory_space<vmem>>, vector<16xf32>,
    %broadcast_in_dim3A_15 = arith.constant 1.000000e+00 : f32
    %broadcast_in_dim3A_16 = vector.broadcast %broadcast_in_dim3A_15 : f32 to vector<16xf32>
    %swap3A_17 = arith.constant 32 : index
    %swap3A_18 = tpu.vector_load %arg8[%swap3A_17] {strides = array<i32>} : memref<128xf32, #tpu.memory_space<vmem>>, vector<16xf32>,
    tpu.vector_store %arg8[%swap3A_17], %broadcast_in_dim3A_16 {strides = array<i32>} : memref<128xf32, #tpu.memory_space<vmem>>, vector<16xf32>,
    %broadcast_in_dim3A_19 = arith.constant 1.000000e+00 : f32
    %broadcast_in_dim3A_20 = vector.broadcast %broadcast_in_dim3A_19 : f32 to vector<16xf32>
    %swap3A_21 = arith.constant 48 : index
    %swap3A_22 = tpu.vector_load %arg8[%swap3A_21] {strides = array<i32>} : memref<128xf32, #tpu.memory_space<vmem>>, vector<16xf32>,
    tpu.vector_store %arg8[%swap3A_21], %broadcast_in_dim3A_20 {strides = array<i32>} : memref<128xf32, #tpu.memory_space<vmem>>, vector<16xf32>,
    %broadcast_in_dim3A_23 = arith.constant 1.000000e+00 : f32
    %broadcast_in_dim3A_24 = vector.broadcast %broadcast_in_dim3A_23 : f32 to vector<16xf32>
    %swap3A_25 = arith.constant 64 : index
    %swap3A_26 = tpu.vector_load %arg8[%swap3A_25] {strides = array<i32>} : memref<128xf32, #tpu.memory_space<vmem>>, vector<16xf32>,
    tpu.vector_store %arg8[%swap3A_25], %broadcast_in_dim3A_24 {strides = array<i32>} : memref<128xf32, #tpu.memory_space<vmem>>, vector<16xf32>,
    %broadcast_in_dim3A_27 = arith.constant 1.000000e+00 : f32
    %broadcast_in_dim3A_28 = vector.broadcast %broadcast_in_dim3A_27 : f32 to vector<16xf32>
    %swap3A_29 = arith.constant 80 : index
    %swap3A_30 = tpu.vector_load %arg8[%swap3A_29] {strides = array<i32>} : memref<128xf32, #tpu.memory_space<vmem>>, vector<16xf32>,
    tpu.vector_store %arg8[%swap3A_29], %broadcast_in_dim3A_28 {strides = array<i32>} : memref<128xf32, #tpu.memory_space<vmem>>, vector<16xf32>,
    %broadcast_in_dim3A_31 = arith.constant 1.000000e+00 : f32
    %broadcast_in_dim3A_32 = vector.broadcast %broadcast_in_dim3A_31 : f32 to vector<16xf32>
    %swap3A_33 = arith.constant 96 : index
    %swap3A_34 = tpu.vector_load %arg8[%swap3A_33] {strides = array<i32>} : memref<128xf32, #tpu.memory_space<vmem>>, vector<16xf32>,
    tpu.vector_store %arg8[%swap3A_33], %broadcast_in_dim3A_32 {strides = array<i32>} : memref<128xf32, #tpu.memory_space<vmem>>, vector<16xf32>,
    %broadcast_in_dim3A_35 = arith.constant 1.000000e+00 : f32
    %broadcast_in_dim3A_36 = vector.broadcast %broadcast_in_dim3A_35 : f32 to vector<16xf32>
    %swap3A_37 = arith.constant 112 : index
    %swap3A_38 = tpu.vector_load %arg8[%swap3A_37] {strides = array<i32>} : memref<128xf32, #tpu.memory_space<vmem>>, vector<16xf32>,
    tpu.vector_store %arg8[%swap3A_37], %broadcast_in_dim3A_36 {strides = array<i32>} : memref<128xf32, #tpu.memory_space<vmem>>, vector<16xf32>,
    %scan3A = arith.constant 0 : i32
    %scan3A_39 = arith.constant 0 : i32
    %scan3A_40 = arith.constant 2560 : i32
    %scan3A_41 = arith.addi %scan3A_39, %scan3A_40 : i32
    %scan3A_42 = arith.constant 8 : i32
    scf.for %scan3A_71 = %scan3A_39 to %scan3A_41 step %scan3A_42  : i32 {
      %broadcast_in_dim3A_72 = arith.constant 0.000000e+00 : f32
      %broadcast_in_dim3A_73 = vector.broadcast %broadcast_in_dim3A_72 : f32 to vector<16xf32>
      %mul3A_74 = arith.constant 16 : i32
      %mul3A_75 = arith.muli %scan3A_71, %mul3A_74 : i32
      %swap3A_76 = arith.index_cast %mul3A_75 : i32 to index
      %swap3A_77 = tpu.vector_load %arg9[%swap3A_76] {strides = array<i32>} : memref<40960xf32, #tpu.memory_space<vmem>>, vector<16xf32>,
      tpu.vector_store %arg9[%swap3A_76], %broadcast_in_dim3A_73 {strides = array<i32>} : memref<40960xf32, #tpu.memory_space<vmem>>, vector<16xf32>,
      %scan3A_78 = arith.constant 1 : i32
      %scan3A_79 = arith.addi %scan3A_71, %scan3A_78 : i32
      %broadcast_in_dim3A_80 = arith.constant 0.000000e+00 : f32
      %broadcast_in_dim3A_81 = vector.broadcast %broadcast_in_dim3A_80 : f32 to vector<16xf32>
      %mul3A_82 = arith.constant 16 : i32
      %mul3A_83 = arith.muli %scan3A_79, %mul3A_82 : i32
      %swap3A_84 = arith.index_cast %mul3A_83 : i32 to index
      %swap3A_85 = tpu.vector_load %arg9[%swap3A_84] {strides = array<i32>} : memref<40960xf32, #tpu.memory_space<vmem>>, vector<16xf32>,
      tpu.vector_store %arg9[%swap3A_84], %broadcast_in_dim3A_81 {strides = array<i32>} : memref<40960xf32, #tpu.memory_space<vmem>>, vector<16xf32>,
      %scan3A_86 = arith.constant 2 : i32
      %scan3A_87 = arith.addi %scan3A_71, %scan3A_86 : i32
      %broadcast_in_dim3A_88 = arith.constant 0.000000e+00 : f32
      %broadcast_in_dim3A_89 = vector.broadcast %broadcast_in_dim3A_88 : f32 to vector<16xf32>
      %mul3A_90 = arith.constant 16 : i32
      %mul3A_91 = arith.muli %scan3A_87, %mul3A_90 : i32
      %swap3A_92 = arith.index_cast %mul3A_91 : i32 to index
      %swap3A_93 = tpu.vector_load %arg9[%swap3A_92] {strides = array<i32>} : memref<40960xf32, #tpu.memory_space<vmem>>, vector<16xf32>,
      tpu.vector_store %arg9[%swap3A_92], %broadcast_in_dim3A_89 {strides = array<i32>} : memref<40960xf32, #tpu.memory_space<vmem>>, vector<16xf32>,
      %scan3A_94 = arith.constant 3 : i32
      %scan3A_95 = arith.addi %scan3A_71, %scan3A_94 : i32
      %broadcast_in_dim3A_96 = arith.constant 0.000000e+00 : f32
      %broadcast_in_dim3A_97 = vector.broadcast %broadcast_in_dim3A_96 : f32 to vector<16xf32>
      %mul3A_98 = arith.constant 16 : i32
      %mul3A_99 = arith.muli %scan3A_95, %mul3A_98 : i32
      %swap3A_100 = arith.index_cast %mul3A_99 : i32 to index
      %swap3A_101 = tpu.vector_load %arg9[%swap3A_100] {strides = array<i32>} : memref<40960xf32, #tpu.memory_space<vmem>>, vector<16xf32>,
      tpu.vector_store %arg9[%swap3A_100], %broadcast_in_dim3A_97 {strides = array<i32>} : memref<40960xf32, #tpu.memory_space<vmem>>, vector<16xf32>,
      %scan3A_102 = arith.constant 4 : i32
      %scan3A_103 = arith.addi %scan3A_71, %scan3A_102 : i32
      %broadcast_in_dim3A_104 = arith.constant 0.000000e+00 : f32
      %broadcast_in_dim3A_105 = vector.broadcast %broadcast_in_dim3A_104 : f32 to vector<16xf32>
      %mul3A_106 = arith.constant 16 : i32
      %mul3A_107 = arith.muli %scan3A_103, %mul3A_106 : i32
      %swap3A_108 = arith.index_cast %mul3A_107 : i32 to index
      %swap3A_109 = tpu.vector_load %arg9[%swap3A_108] {strides = array<i32>} : memref<40960xf32, #tpu.memory_space<vmem>>, vector<16xf32>,
      tpu.vector_store %arg9[%swap3A_108], %broadcast_in_dim3A_105 {strides = array<i32>} : memref<40960xf32, #tpu.memory_space<vmem>>, vector<16xf32>,
      %scan3A_110 = arith.constant 5 : i32
      %scan3A_111 = arith.addi %scan3A_71, %scan3A_110 : i32
      %broadcast_in_dim3A_112 = arith.constant 0.000000e+00 : f32
      %broadcast_in_dim3A_113 = vector.broadcast %broadcast_in_dim3A_112 : f32 to vector<16xf32>
      %mul3A_114 = arith.constant 16 : i32
      %mul3A_115 = arith.muli %scan3A_111, %mul3A_114 : i32
      %swap3A_116 = arith.index_cast %mul3A_115 : i32 to index
      %swap3A_117 = tpu.vector_load %arg9[%swap3A_116] {strides = array<i32>} : memref<40960xf32, #tpu.memory_space<vmem>>, vector<16xf32>,
      tpu.vector_store %arg9[%swap3A_116], %broadcast_in_dim3A_113 {strides = array<i32>} : memref<40960xf32, #tpu.memory_space<vmem>>, vector<16xf32>,
      %scan3A_118 = arith.constant 6 : i32
      %scan3A_119 = arith.addi %scan3A_71, %scan3A_118 : i32
      %broadcast_in_dim3A_120 = arith.constant 0.000000e+00 : f32
      %broadcast_in_dim3A_121 = vector.broadcast %broadcast_in_dim3A_120 : f32 to vector<16xf32>
      %mul3A_122 = arith.constant 16 : i32
      %mul3A_123 = arith.muli %scan3A_119, %mul3A_122 : i32
      %swap3A_124 = arith.index_cast %mul3A_123 : i32 to index
      %swap3A_125 = tpu.vector_load %arg9[%swap3A_124] {strides = array<i32>} : memref<40960xf32, #tpu.memory_space<vmem>>, vector<16xf32>,
      tpu.vector_store %arg9[%swap3A_124], %broadcast_in_dim3A_121 {strides = array<i32>} : memref<40960xf32, #tpu.memory_space<vmem>>, vector<16xf32>,
      %scan3A_126 = arith.constant 7 : i32
      %scan3A_127 = arith.addi %scan3A_71, %scan3A_126 : i32
      %broadcast_in_dim3A_128 = arith.constant 0.000000e+00 : f32
      %broadcast_in_dim3A_129 = vector.broadcast %broadcast_in_dim3A_128 : f32 to vector<16xf32>
      %mul3A_130 = arith.constant 16 : i32
      %mul3A_131 = arith.muli %scan3A_127, %mul3A_130 : i32
      %swap3A_132 = arith.index_cast %mul3A_131 : i32 to index
      %swap3A_133 = tpu.vector_load %arg9[%swap3A_132] {strides = array<i32>} : memref<40960xf32, #tpu.memory_space<vmem>>, vector<16xf32>,
      tpu.vector_store %arg9[%swap3A_132], %broadcast_in_dim3A_129 {strides = array<i32>} : memref<40960xf32, #tpu.memory_space<vmem>>, vector<16xf32>,
    }
    %scan3A_43 = arith.constant 2560 : i32
    %mul3A_44 = arith.constant 40960 : i32
    %mul3A_45 = arith.muli %arg1, %mul3A_44 : i32
    "tpu.region"() ({
      %run_scoped3A = tpu.sem_alloc : memref<!tpu.dma_semaphore, #tpu.memory_space<semaphore_mem>>
      %dma_start3A_71 = tpu.memref_slice %arg10[%mul3A_45] : memref<655360xf32, #tpu.memory_space<vmem_shared>> -> memref<40960xf32, #tpu.memory_space<vmem_shared>>
      %dma_start3A_72 = tpu.memref_slice %arg10[%mul3A_45] : memref<655360xf32, #tpu.memory_space<vmem_shared>> -> memref<40960xf32, #tpu.memory_space<vmem_shared>>
      tpu.enqueue_dma source(%arg9 : memref<40960xf32, #tpu.memory_space<vmem>>) target(%dma_start3A_72 : memref<40960xf32, #tpu.memory_space<vmem_shared>>) target_semaphore(%run_scoped3A : memref<!tpu.dma_semaphore, #tpu.memory_space<semaphore_mem>>)
      %dma_wait3A_73 = tpu.memref_slice %arg10[%mul3A_45] : memref<655360xf32, #tpu.memory_space<vmem_shared>> -> memref<40960xf32, #tpu.memory_space<vmem_shared>>
      %dma_wait3A_74 = tpu.memref_slice %arg10[%mul3A_45] : memref<655360xf32, #tpu.memory_space<vmem_shared>> -> memref<40960xf32, #tpu.memory_space<vmem_shared>>
      tpu.wait_dma2 semaphore(%run_scoped3A : memref<!tpu.dma_semaphore, #tpu.memory_space<semaphore_mem>>) src(%arg9 : memref<40960xf32, #tpu.memory_space<vmem>>) dst(%dma_wait3A_74 : memref<40960xf32, #tpu.memory_space<vmem_shared>>)
      tpu.yield
    }) : () -> ()
    tpu.wait_dma2 semaphore(%arg12 : memref<!tpu.dma_semaphore, #tpu.memory_space<semaphore_mem>>) src(%arg3 : memref<10000xi32, #tpu.memory_space<hbm>>) dst(%arg5 : memref<10000xi32, #tpu.memory_space<vmem>>)
    %dma_wait3A = arith.constant 0 : i32
    %dma_wait3A_46 = tpu.memref_slice %arg2[%dma_wait3A, %multiple_of3A] : memref<2x320000xi32, #tpu.memory_space<hbm>> -> memref<2x10496xi32, #tpu.memory_space<hbm>>
    %dma_wait3A_47 = arith.constant 0 : i32
    %dma_wait3A_48 = tpu.memref_slice %arg2[%dma_wait3A_47, %multiple_of3A] : memref<2x320000xi32, #tpu.memory_space<hbm>> -> memref<2x10496xi32, #tpu.memory_space<hbm>>
    tpu.wait_dma2 semaphore(%arg13 : memref<!tpu.dma_semaphore, #tpu.memory_space<semaphore_mem>>) src(%dma_wait3A_48 : memref<2x10496xi32, #tpu.memory_space<hbm>>) dst(%arg6 : memref<2x10496xi32, #tpu.memory_space<vmem>>)
    %barrier3A = arith.constant 0 : index
    tpu.barrier barrier_id(%barrier3A)
    %iota3A = tpu.iota {dimensions = array<i32: 0>} : vector<16xi32>
    %broadcast_in_dim3A_49 = arith.constant 655359 : i32
    %broadcast_in_dim3A_50 = vector.broadcast %broadcast_in_dim3A_49 : i32 to vector<16xi32>
    %scan3A_51 = arith.constant 0 : i32
    %scan3A_52 = arith.constant 0 : i32
    %scan3A_53 = arith.constant 80 : i32
    %scan3A_54 = arith.addi %scan3A_52, %scan3A_53 : i32
    %scan3A_55 = arith.constant 1 : i32
    scf.for %scan3A_71 = %scan3A_52 to %scan3A_54 step %scan3A_55  : i32 {
      %mul3A_72 = arith.constant 128 : i32
      %mul3A_73 = arith.muli %scan3A_71, %mul3A_72 : i32
      %add3A_74 = arith.constant 0 : i32
      %add3A_75 = arith.addi %mul3A_73, %add3A_74 : i32
      %add3A_76 = arith.addi %sub3A_5, %add3A_75 : i32
      %min3A_77 = arith.constant 10480 : i32
      %min3A_78 = arith.minsi %add3A_76, %min3A_77 : i32
      %get3A = arith.constant 0 : i32
      %get3A_79 = arith.index_cast %get3A : i32 to index
      %get3A_80 = arith.index_cast %min3A_78 : i32 to index
      %get3A_81 = tpu.vector_load %arg6[%get3A_79, %get3A_80] {strides = array<i32>} : memref<2x10496xi32, #tpu.memory_space<vmem>>, vector<16xi32>,
      %get3A_82 = arith.constant 1 : i32
      %get3A_83 = arith.index_cast %get3A_82 : i32 to index
      %get3A_84 = arith.index_cast %min3A_78 : i32 to index
      %get3A_85 = tpu.vector_load %arg6[%get3A_83, %get3A_84] {strides = array<i32>} : memref<2x10496xi32, #tpu.memory_space<vmem>>, vector<16xi32>,
      %gather3A = tpu.vector_load_idx %arg5[%get3A_85] : memref<10000xi32, #tpu.memory_space<vmem>>[vector<16xi32>], vector<16xi32>,
      %add3A_86 = vector.broadcast %add3A_75 : i32 to vector<16xi32>
      %add3A_87 = arith.addi %add3A_86, %iota3A : vector<16xi32>
      %lt3A = arith.constant 10000 : i32
      %lt3A_88 = vector.broadcast %lt3A : i32 to vector<16xi32>
      %lt3A_89 = arith.cmpi slt, %add3A_87, %lt3A_88 : vector<16xi32>
      %mul3A_90 = arith.constant 64 : i32
      %mul3A_91 = vector.broadcast %mul3A_90 : i32 to vector<16xi32>
      %mul3A_92 = arith.muli %get3A_81, %mul3A_91 : vector<16xi32>
      %add3A_93 = arith.addi %mul3A_92, %gather3A : vector<16xi32>
      %select_n3A = arith.select %lt3A_89, %add3A_93, %broadcast_in_dim3A_50 : vector<16xi1>, vector<16xi32>
      %swap3A_94 = arith.index_cast %scan3A_71 : i32 to index
      %swap3A_95 = arith.constant 0 : index
      %swap3A_96 = tpu.vector_load %arg7[%swap3A_94, %swap3A_95] {strides = array<i32>} : memref<80x128xi32, #tpu.memory_space<vmem>>, vector<16xi32>,
      tpu.vector_store %arg7[%swap3A_94, %swap3A_95], %select_n3A {strides = array<i32>} : memref<80x128xi32, #tpu.memory_space<vmem>>, vector<16xi32>,
      %mul3A_97 = arith.constant 128 : i32
      %mul3A_98 = arith.muli %scan3A_71, %mul3A_97 : i32
      %add3A_99 = arith.constant 16 : i32
      %add3A_100 = arith.addi %mul3A_98, %add3A_99 : i32
      %add3A_101 = arith.addi %sub3A_5, %add3A_100 : i32
      %min3A_102 = arith.constant 10480 : i32
      %min3A_103 = arith.minsi %add3A_101, %min3A_102 : i32
      %get3A_104 = arith.constant 0 : i32
      %get3A_105 = arith.index_cast %get3A_104 : i32 to index
      %get3A_106 = arith.index_cast %min3A_103 : i32 to index
      %get3A_107 = tpu.vector_load %arg6[%get3A_105, %get3A_106] {strides = array<i32>} : memref<2x10496xi32, #tpu.memory_space<vmem>>, vector<16xi32>,
      %get3A_108 = arith.constant 1 : i32
      %get3A_109 = arith.index_cast %get3A_108 : i32 to index
      %get3A_110 = arith.index_cast %min3A_103 : i32 to index
      %get3A_111 = tpu.vector_load %arg6[%get3A_109, %get3A_110] {strides = array<i32>} : memref<2x10496xi32, #tpu.memory_space<vmem>>, vector<16xi32>,
      %gather3A_112 = tpu.vector_load_idx %arg5[%get3A_111] : memref<10000xi32, #tpu.memory_space<vmem>>[vector<16xi32>], vector<16xi32>,
      %add3A_113 = vector.broadcast %add3A_100 : i32 to vector<16xi32>
      %add3A_114 = arith.addi %add3A_113, %iota3A : vector<16xi32>
      %lt3A_115 = arith.constant 10000 : i32
      %lt3A_116 = vector.broadcast %lt3A_115 : i32 to vector<16xi32>
      %lt3A_117 = arith.cmpi slt, %add3A_114, %lt3A_116 : vector<16xi32>
      %mul3A_118 = arith.constant 64 : i32
      %mul3A_119 = vector.broadcast %mul3A_118 : i32 to vector<16xi32>
      %mul3A_120 = arith.muli %get3A_107, %mul3A_119 : vector<16xi32>
      %add3A_121 = arith.addi %mul3A_120, %gather3A_112 : vector<16xi32>
      %select_n3A_122 = arith.select %lt3A_117, %add3A_121, %broadcast_in_dim3A_50 : vector<16xi1>, vector<16xi32>
      %swap3A_123 = arith.index_cast %scan3A_71 : i32 to index
      %swap3A_124 = arith.constant 16 : index
      %swap3A_125 = tpu.vector_load %arg7[%swap3A_123, %swap3A_124] {strides = array<i32>} : memref<80x128xi32, #tpu.memory_space<vmem>>, vector<16xi32>,
      tpu.vector_store %arg7[%swap3A_123, %swap3A_124], %select_n3A_122 {strides = array<i32>} : memref<80x128xi32, #tpu.memory_space<vmem>>, vector<16xi32>,
      %mul3A_126 = arith.constant 128 : i32
      %mul3A_127 = arith.muli %scan3A_71, %mul3A_126 : i32
      %add3A_128 = arith.constant 32 : i32
      %add3A_129 = arith.addi %mul3A_127, %add3A_128 : i32
      %add3A_130 = arith.addi %sub3A_5, %add3A_129 : i32
      %min3A_131 = arith.constant 10480 : i32
      %min3A_132 = arith.minsi %add3A_130, %min3A_131 : i32
      %get3A_133 = arith.constant 0 : i32
      %get3A_134 = arith.index_cast %get3A_133 : i32 to index
      %get3A_135 = arith.index_cast %min3A_132 : i32 to index
      %get3A_136 = tpu.vector_load %arg6[%get3A_134, %get3A_135] {strides = array<i32>} : memref<2x10496xi32, #tpu.memory_space<vmem>>, vector<16xi32>,
      %get3A_137 = arith.constant 1 : i32
      %get3A_138 = arith.index_cast %get3A_137 : i32 to index
      %get3A_139 = arith.index_cast %min3A_132 : i32 to index
      %get3A_140 = tpu.vector_load %arg6[%get3A_138, %get3A_139] {strides = array<i32>} : memref<2x10496xi32, #tpu.memory_space<vmem>>, vector<16xi32>,
      %gather3A_141 = tpu.vector_load_idx %arg5[%get3A_140] : memref<10000xi32, #tpu.memory_space<vmem>>[vector<16xi32>], vector<16xi32>,
      %add3A_142 = vector.broadcast %add3A_129 : i32 to vector<16xi32>
      %add3A_143 = arith.addi %add3A_142, %iota3A : vector<16xi32>
      %lt3A_144 = arith.constant 10000 : i32
      %lt3A_145 = vector.broadcast %lt3A_144 : i32 to vector<16xi32>
      %lt3A_146 = arith.cmpi slt, %add3A_143, %lt3A_145 : vector<16xi32>
      %mul3A_147 = arith.constant 64 : i32
      %mul3A_148 = vector.broadcast %mul3A_147 : i32 to vector<16xi32>
      %mul3A_149 = arith.muli %get3A_136, %mul3A_148 : vector<16xi32>
      %add3A_150 = arith.addi %mul3A_149, %gather3A_141 : vector<16xi32>
      %select_n3A_151 = arith.select %lt3A_146, %add3A_150, %broadcast_in_dim3A_50 : vector<16xi1>, vector<16xi32>
      %swap3A_152 = arith.index_cast %scan3A_71 : i32 to index
      %swap3A_153 = arith.constant 32 : index
      %swap3A_154 = tpu.vector_load %arg7[%swap3A_152, %swap3A_153] {strides = array<i32>} : memref<80x128xi32, #tpu.memory_space<vmem>>, vector<16xi32>,
      tpu.vector_store %arg7[%swap3A_152, %swap3A_153], %select_n3A_151 {strides = array<i32>} : memref<80x128xi32, #tpu.memory_space<vmem>>, vector<16xi32>,
      %mul3A_155 = arith.constant 128 : i32
      %mul3A_156 = arith.muli %scan3A_71, %mul3A_155 : i32
      %add3A_157 = arith.constant 48 : i32
      %add3A_158 = arith.addi %mul3A_156, %add3A_157 : i32
      %add3A_159 = arith.addi %sub3A_5, %add3A_158 : i32
      %min3A_160 = arith.constant 10480 : i32
      %min3A_161 = arith.minsi %add3A_159, %min3A_160 : i32
      %get3A_162 = arith.constant 0 : i32
      %get3A_163 = arith.index_cast %get3A_162 : i32 to index
      %get3A_164 = arith.index_cast %min3A_161 : i32 to index
      %get3A_165 = tpu.vector_load %arg6[%get3A_163, %get3A_164] {strides = array<i32>} : memref<2x10496xi32, #tpu.memory_space<vmem>>, vector<16xi32>,
      %get3A_166 = arith.constant 1 : i32
      %get3A_167 = arith.index_cast %get3A_166 : i32 to index
      %get3A_168 = arith.index_cast %min3A_161 : i32 to index
      %get3A_169 = tpu.vector_load %arg6[%get3A_167, %get3A_168] {strides = array<i32>} : memref<2x10496xi32, #tpu.memory_space<vmem>>, vector<16xi32>,
      %gather3A_170 = tpu.vector_load_idx %arg5[%get3A_169] : memref<10000xi32, #tpu.memory_space<vmem>>[vector<16xi32>], vector<16xi32>,
      %add3A_171 = vector.broadcast %add3A_158 : i32 to vector<16xi32>
      %add3A_172 = arith.addi %add3A_171, %iota3A : vector<16xi32>
      %lt3A_173 = arith.constant 10000 : i32
      %lt3A_174 = vector.broadcast %lt3A_173 : i32 to vector<16xi32>
      %lt3A_175 = arith.cmpi slt, %add3A_172, %lt3A_174 : vector<16xi32>
      %mul3A_176 = arith.constant 64 : i32
      %mul3A_177 = vector.broadcast %mul3A_176 : i32 to vector<16xi32>
      %mul3A_178 = arith.muli %get3A_165, %mul3A_177 : vector<16xi32>
      %add3A_179 = arith.addi %mul3A_178, %gather3A_170 : vector<16xi32>
      %select_n3A_180 = arith.select %lt3A_175, %add3A_179, %broadcast_in_dim3A_50 : vector<16xi1>, vector<16xi32>
      %swap3A_181 = arith.index_cast %scan3A_71 : i32 to index
      %swap3A_182 = arith.constant 48 : index
      %swap3A_183 = tpu.vector_load %arg7[%swap3A_181, %swap3A_182] {strides = array<i32>} : memref<80x128xi32, #tpu.memory_space<vmem>>, vector<16xi32>,
      tpu.vector_store %arg7[%swap3A_181, %swap3A_182], %select_n3A_180 {strides = array<i32>} : memref<80x128xi32, #tpu.memory_space<vmem>>, vector<16xi32>,
      %mul3A_184 = arith.constant 128 : i32
      %mul3A_185 = arith.muli %scan3A_71, %mul3A_184 : i32
      %add3A_186 = arith.constant 64 : i32
      %add3A_187 = arith.addi %mul3A_185, %add3A_186 : i32
      %add3A_188 = arith.addi %sub3A_5, %add3A_187 : i32
      %min3A_189 = arith.constant 10480 : i32
      %min3A_190 = arith.minsi %add3A_188, %min3A_189 : i32
      %get3A_191 = arith.constant 0 : i32
      %get3A_192 = arith.index_cast %get3A_191 : i32 to index
      %get3A_193 = arith.index_cast %min3A_190 : i32 to index
      %get3A_194 = tpu.vector_load %arg6[%get3A_192, %get3A_193] {strides = array<i32>} : memref<2x10496xi32, #tpu.memory_space<vmem>>, vector<16xi32>,
      %get3A_195 = arith.constant 1 : i32
      %get3A_196 = arith.index_cast %get3A_195 : i32 to index
      %get3A_197 = arith.index_cast %min3A_190 : i32 to index
      %get3A_198 = tpu.vector_load %arg6[%get3A_196, %get3A_197] {strides = array<i32>} : memref<2x10496xi32, #tpu.memory_space<vmem>>, vector<16xi32>,
      %gather3A_199 = tpu.vector_load_idx %arg5[%get3A_198] : memref<10000xi32, #tpu.memory_space<vmem>>[vector<16xi32>], vector<16xi32>,
      %add3A_200 = vector.broadcast %add3A_187 : i32 to vector<16xi32>
      %add3A_201 = arith.addi %add3A_200, %iota3A : vector<16xi32>
      %lt3A_202 = arith.constant 10000 : i32
      %lt3A_203 = vector.broadcast %lt3A_202 : i32 to vector<16xi32>
      %lt3A_204 = arith.cmpi slt, %add3A_201, %lt3A_203 : vector<16xi32>
      %mul3A_205 = arith.constant 64 : i32
      %mul3A_206 = vector.broadcast %mul3A_205 : i32 to vector<16xi32>
      %mul3A_207 = arith.muli %get3A_194, %mul3A_206 : vector<16xi32>
      %add3A_208 = arith.addi %mul3A_207, %gather3A_199 : vector<16xi32>
      %select_n3A_209 = arith.select %lt3A_204, %add3A_208, %broadcast_in_dim3A_50 : vector<16xi1>, vector<16xi32>
      %swap3A_210 = arith.index_cast %scan3A_71 : i32 to index
      %swap3A_211 = arith.constant 64 : index
      %swap3A_212 = tpu.vector_load %arg7[%swap3A_210, %swap3A_211] {strides = array<i32>} : memref<80x128xi32, #tpu.memory_space<vmem>>, vector<16xi32>,
      tpu.vector_store %arg7[%swap3A_210, %swap3A_211], %select_n3A_209 {strides = array<i32>} : memref<80x128xi32, #tpu.memory_space<vmem>>, vector<16xi32>,
      %mul3A_213 = arith.constant 128 : i32
      %mul3A_214 = arith.muli %scan3A_71, %mul3A_213 : i32
      %add3A_215 = arith.constant 80 : i32
      %add3A_216 = arith.addi %mul3A_214, %add3A_215 : i32
      %add3A_217 = arith.addi %sub3A_5, %add3A_216 : i32
      %min3A_218 = arith.constant 10480 : i32
      %min3A_219 = arith.minsi %add3A_217, %min3A_218 : i32
      %get3A_220 = arith.constant 0 : i32
      %get3A_221 = arith.index_cast %get3A_220 : i32 to index
      %get3A_222 = arith.index_cast %min3A_219 : i32 to index
      %get3A_223 = tpu.vector_load %arg6[%get3A_221, %get3A_222] {strides = array<i32>} : memref<2x10496xi32, #tpu.memory_space<vmem>>, vector<16xi32>,
      %get3A_224 = arith.constant 1 : i32
      %get3A_225 = arith.index_cast %get3A_224 : i32 to index
      %get3A_226 = arith.index_cast %min3A_219 : i32 to index
      %get3A_227 = tpu.vector_load %arg6[%get3A_225, %get3A_226] {strides = array<i32>} : memref<2x10496xi32, #tpu.memory_space<vmem>>, vector<16xi32>,
      %gather3A_228 = tpu.vector_load_idx %arg5[%get3A_227] : memref<10000xi32, #tpu.memory_space<vmem>>[vector<16xi32>], vector<16xi32>,
      %add3A_229 = vector.broadcast %add3A_216 : i32 to vector<16xi32>
      %add3A_230 = arith.addi %add3A_229, %iota3A : vector<16xi32>
      %lt3A_231 = arith.constant 10000 : i32
      %lt3A_232 = vector.broadcast %lt3A_231 : i32 to vector<16xi32>
      %lt3A_233 = arith.cmpi slt, %add3A_230, %lt3A_232 : vector<16xi32>
      %mul3A_234 = arith.constant 64 : i32
      %mul3A_235 = vector.broadcast %mul3A_234 : i32 to vector<16xi32>
      %mul3A_236 = arith.muli %get3A_223, %mul3A_235 : vector<16xi32>
      %add3A_237 = arith.addi %mul3A_236, %gather3A_228 : vector<16xi32>
      %select_n3A_238 = arith.select %lt3A_233, %add3A_237, %broadcast_in_dim3A_50 : vector<16xi1>, vector<16xi32>
      %swap3A_239 = arith.index_cast %scan3A_71 : i32 to index
      %swap3A_240 = arith.constant 80 : index
      %swap3A_241 = tpu.vector_load %arg7[%swap3A_239, %swap3A_240] {strides = array<i32>} : memref<80x128xi32, #tpu.memory_space<vmem>>, vector<16xi32>,
      tpu.vector_store %arg7[%swap3A_239, %swap3A_240], %select_n3A_238 {strides = array<i32>} : memref<80x128xi32, #tpu.memory_space<vmem>>, vector<16xi32>,
      %mul3A_242 = arith.constant 128 : i32
      %mul3A_243 = arith.muli %scan3A_71, %mul3A_242 : i32
      %add3A_244 = arith.constant 96 : i32
      %add3A_245 = arith.addi %mul3A_243, %add3A_244 : i32
      %add3A_246 = arith.addi %sub3A_5, %add3A_245 : i32
      %min3A_247 = arith.constant 10480 : i32
      %min3A_248 = arith.minsi %add3A_246, %min3A_247 : i32
      %get3A_249 = arith.constant 0 : i32
      %get3A_250 = arith.index_cast %get3A_249 : i32 to index
      %get3A_251 = arith.index_cast %min3A_248 : i32 to index
      %get3A_252 = tpu.vector_load %arg6[%get3A_250, %get3A_251] {strides = array<i32>} : memref<2x10496xi32, #tpu.memory_space<vmem>>, vector<16xi32>,
      %get3A_253 = arith.constant 1 : i32
      %get3A_254 = arith.index_cast %get3A_253 : i32 to index
      %get3A_255 = arith.index_cast %min3A_248 : i32 to index
      %get3A_256 = tpu.vector_load %arg6[%get3A_254, %get3A_255] {strides = array<i32>} : memref<2x10496xi32, #tpu.memory_space<vmem>>, vector<16xi32>,
      %gather3A_257 = tpu.vector_load_idx %arg5[%get3A_256] : memref<10000xi32, #tpu.memory_space<vmem>>[vector<16xi32>], vector<16xi32>,
      %add3A_258 = vector.broadcast %add3A_245 : i32 to vector<16xi32>
      %add3A_259 = arith.addi %add3A_258, %iota3A : vector<16xi32>
      %lt3A_260 = arith.constant 10000 : i32
      %lt3A_261 = vector.broadcast %lt3A_260 : i32 to vector<16xi32>
      %lt3A_262 = arith.cmpi slt, %add3A_259, %lt3A_261 : vector<16xi32>
      %mul3A_263 = arith.constant 64 : i32
      %mul3A_264 = vector.broadcast %mul3A_263 : i32 to vector<16xi32>
      %mul3A_265 = arith.muli %get3A_252, %mul3A_264 : vector<16xi32>
      %add3A_266 = arith.addi %mul3A_265, %gather3A_257 : vector<16xi32>
      %select_n3A_267 = arith.select %lt3A_262, %add3A_266, %broadcast_in_dim3A_50 : vector<16xi1>, vector<16xi32>
      %swap3A_268 = arith.index_cast %scan3A_71 : i32 to index
      %swap3A_269 = arith.constant 96 : index
      %swap3A_270 = tpu.vector_load %arg7[%swap3A_268, %swap3A_269] {strides = array<i32>} : memref<80x128xi32, #tpu.memory_space<vmem>>, vector<16xi32>,
      tpu.vector_store %arg7[%swap3A_268, %swap3A_269], %select_n3A_267 {strides = array<i32>} : memref<80x128xi32, #tpu.memory_space<vmem>>, vector<16xi32>,
      %mul3A_271 = arith.constant 128 : i32
      %mul3A_272 = arith.muli %scan3A_71, %mul3A_271 : i32
      %add3A_273 = arith.constant 112 : i32
      %add3A_274 = arith.addi %mul3A_272, %add3A_273 : i32
      %add3A_275 = arith.addi %sub3A_5, %add3A_274 : i32
      %min3A_276 = arith.constant 10480 : i32
      %min3A_277 = arith.minsi %add3A_275, %min3A_276 : i32
      %get3A_278 = arith.constant 0 : i32
      %get3A_279 = arith.index_cast %get3A_278 : i32 to index
      %get3A_280 = arith.index_cast %min3A_277 : i32 to index
      %get3A_281 = tpu.vector_load %arg6[%get3A_279, %get3A_280] {strides = array<i32>} : memref<2x10496xi32, #tpu.memory_space<vmem>>, vector<16xi32>,
      %get3A_282 = arith.constant 1 : i32
      %get3A_283 = arith.index_cast %get3A_282 : i32 to index
      %get3A_284 = arith.index_cast %min3A_277 : i32 to index
      %get3A_285 = tpu.vector_load %arg6[%get3A_283, %get3A_284] {strides = array<i32>} : memref<2x10496xi32, #tpu.memory_space<vmem>>, vector<16xi32>,
      %gather3A_286 = tpu.vector_load_idx %arg5[%get3A_285] : memref<10000xi32, #tpu.memory_space<vmem>>[vector<16xi32>], vector<16xi32>,
      %add3A_287 = vector.broadcast %add3A_274 : i32 to vector<16xi32>
      %add3A_288 = arith.addi %add3A_287, %iota3A : vector<16xi32>
      %lt3A_289 = arith.constant 10000 : i32
      %lt3A_290 = vector.broadcast %lt3A_289 : i32 to vector<16xi32>
      %lt3A_291 = arith.cmpi slt, %add3A_288, %lt3A_290 : vector<16xi32>
      %mul3A_292 = arith.constant 64 : i32
      %mul3A_293 = vector.broadcast %mul3A_292 : i32 to vector<16xi32>
      %mul3A_294 = arith.muli %get3A_281, %mul3A_293 : vector<16xi32>
      %add3A_295 = arith.addi %mul3A_294, %gather3A_286 : vector<16xi32>
      %select_n3A_296 = arith.select %lt3A_291, %add3A_295, %broadcast_in_dim3A_50 : vector<16xi1>, vector<16xi32>
      %swap3A_297 = arith.index_cast %scan3A_71 : i32 to index
      %swap3A_298 = arith.constant 112 : index
      %swap3A_299 = tpu.vector_load %arg7[%swap3A_297, %swap3A_298] {strides = array<i32>} : memref<80x128xi32, #tpu.memory_space<vmem>>, vector<16xi32>,
      tpu.vector_store %arg7[%swap3A_297, %swap3A_298], %select_n3A_296 {strides = array<i32>} : memref<80x128xi32, #tpu.memory_space<vmem>>, vector<16xi32>,
      %dma_start3A_300 = arith.constant 0 : i32
      %dma_start3A_301 = tpu.memref_slice %arg7[%scan3A_71, %dma_start3A_300] : memref<80x128xi32, #tpu.memory_space<vmem>> -> memref<1x128xi32, #tpu.memory_space<vmem>>
      %dma_start3A_302 = tpu.memref_squeeze %dma_start3A_301 : memref<1x128xi32, #tpu.memory_space<vmem>> -> memref<128xi32, #tpu.memory_space<vmem>>
      %dma_start3A_303 = arith.constant 0 : i32
      %dma_start3A_304 = tpu.memref_slice %arg10[%dma_start3A_303] : memref<655360xf32, #tpu.memory_space<vmem_shared>> -> memref<655360xf32, #tpu.memory_space<vmem_shared>>
      tpu.enqueue_indirect_dma source(%arg8 : memref<128xf32, #tpu.memory_space<vmem>>) target(%dma_start3A_304 : memref<655360xf32, #tpu.memory_space<vmem_shared>>) offsets(%dma_start3A_302 : memref<128xi32, #tpu.memory_space<vmem>>) semaphore(%arg11 : memref<!tpu.dma_semaphore, #tpu.memory_space<semaphore_mem>>) {add = true}
    }
    %scan3A_56 = arith.constant 80 : i32
    %scan3A_57 = arith.constant 0 : i32
    %scan3A_58 = arith.constant 0 : i32
    %scan3A_59 = arith.constant 80 : i32
    %scan3A_60 = arith.addi %scan3A_58, %scan3A_59 : i32
    %scan3A_61 = arith.constant 1 : i32
    scf.for %scan3A_71 = %scan3A_58 to %scan3A_60 step %scan3A_61  : i32 {
      %dma_wait3A_72 = arith.constant 0 : i32
      %dma_wait3A_73 = arith.constant 0 : i32
      %dma_wait3A_74 = tpu.memref_slice %arg7[%dma_wait3A_72, %dma_wait3A_73] : memref<80x128xi32, #tpu.memory_space<vmem>> -> memref<1x128xi32, #tpu.memory_space<vmem>>
      %dma_wait3A_75 = tpu.memref_squeeze %dma_wait3A_74 : memref<1x128xi32, #tpu.memory_space<vmem>> -> memref<128xi32, #tpu.memory_space<vmem>>
      %dma_wait3A_76 = arith.constant 0 : i32
      %dma_wait3A_77 = tpu.memref_slice %arg10[%dma_wait3A_76] : memref<655360xf32, #tpu.memory_space<vmem_shared>> -> memref<655360xf32, #tpu.memory_space<vmem_shared>>
      tpu.wait_indirect_dma semaphore(%arg11 : memref<!tpu.dma_semaphore, #tpu.memory_space<semaphore_mem>>) src(%arg8 : memref<128xf32, #tpu.memory_space<vmem>>) dst(%dma_wait3A_77 : memref<655360xf32, #tpu.memory_space<vmem_shared>>)
    }
    %scan3A_62 = arith.constant 80 : i32
    %barrier3A_63 = arith.constant 0 : index
    tpu.barrier barrier_id(%barrier3A_63)
    %mul3A_64 = arith.constant 40960 : i32
    %mul3A_65 = arith.muli %arg1, %mul3A_64 : i32
    %mul3A_66 = arith.constant 655360 : i32
    %mul3A_67 = arith.muli %arg0, %mul3A_66 : i32
    %mul3A_68 = arith.constant 40960 : i32
    %mul3A_69 = arith.muli %arg1, %mul3A_68 : i32
    %add3A_70 = arith.addi %mul3A_67, %mul3A_69 : i32
    "tpu.region"() ({
      %run_scoped3A = tpu.sem_alloc : memref<!tpu.dma_semaphore, #tpu.memory_space<semaphore_mem>>
      %dma_start3A_71 = tpu.memref_slice %arg4[%add3A_70] : memref<1310720xf32, #tpu.memory_space<hbm>> -> memref<40960xf32, #tpu.memory_space<hbm>>
      %dma_start3A_72 = tpu.memref_slice %arg10[%mul3A_65] : memref<655360xf32, #tpu.memory_space<vmem_shared>> -> memref<40960xf32, #tpu.memory_space<vmem_shared>>
      tpu.enqueue_dma source(%dma_start3A_72 : memref<40960xf32, #tpu.memory_space<vmem_shared>>) target(%dma_start3A_71 : memref<40960xf32, #tpu.memory_space<hbm>>) target_semaphore(%run_scoped3A : memref<!tpu.dma_semaphore, #tpu.memory_space<semaphore_mem>>)
      %dma_wait3A_73 = tpu.memref_slice %arg4[%add3A_70] : memref<1310720xf32, #tpu.memory_space<hbm>> -> memref<40960xf32, #tpu.memory_space<hbm>>
      %dma_wait3A_74 = tpu.memref_slice %arg10[%mul3A_65] : memref<655360xf32, #tpu.memory_space<vmem_shared>> -> memref<40960xf32, #tpu.memory_space<vmem_shared>>
      tpu.wait_dma2 semaphore(%run_scoped3A : memref<!tpu.dma_semaphore, #tpu.memory_space<semaphore_mem>>) src(%dma_wait3A_74 : memref<40960xf32, #tpu.memory_space<vmem_shared>>) dst(%dma_wait3A_73 : memref<40960xf32, #tpu.memory_space<hbm>>)
      tpu.yield
    }) : () -> ()
    return
  }
}

module attributes {stable_mosaic.version = 14 : i64} {
  func.func @_pool_b_body(%arg0: memref<10000x128xf32, #tpu.memory_space<vmem>>, %arg1: memref<10240x128xf32, #tpu.memory_space<vmem>>, %arg2: memref<64x128xf32, #tpu.memory_space<vmem>>, %arg3: memref<64x1xf32, #tpu.memory_space<vmem>>, %arg4: memref<128x128xf32, #tpu.memory_space<vmem>>, %arg5: memref<1x128xf32, #tpu.memory_space<vmem>>, %arg6: memref<128x128xf32, #tpu.memory_space<vmem>>, %arg7: memref<10x128xf32, #tpu.memory_space<vmem>>, %arg8: memref<1x10xf32, #tpu.memory_space<vmem>>, %arg9: memref<64x10xf32, #tpu.memory_space<vmem>>) attributes {dimension_semantics = [], scalar_prefetch = 0 : i64, scratch_operands = 0 : i64, tpu.core_type = #tpu.core_type<tc>} {
    %get3A = arith.constant 0 : index
    %get3A_0 = arith.constant 0 : index
    %get3A_1 = vector.load %arg1[%get3A, %get3A_0] : memref<10240x128xf32, #tpu.memory_space<vmem>>, vector<5120x128xf32>
    %get3A_2 = arith.constant 5120 : index
    %get3A_3 = arith.constant 0 : index
    %get3A_4 = vector.load %arg1[%get3A_2, %get3A_3] : memref<10240x128xf32, #tpu.memory_space<vmem>>, vector<5120x128xf32>
    %add3A = arith.addf %get3A_1, %get3A_4 : vector<5120x128xf32>
    %slice3A = vector.extract_strided_slice %add3A {offsets = [0, 0], sizes = [5000, 128], strides = [1, 1]} : vector<5120x128xf32> to vector<5000x128xf32>
    %get3A_5 = arith.constant 0 : index
    %get3A_6 = arith.constant 0 : index
    %get3A_7 = vector.load %arg0[%get3A_5, %get3A_6] : memref<10000x128xf32, #tpu.memory_space<vmem>>, vector<10000x128xf32>
    %reshape3A = vector.shape_cast %get3A_7 : vector<10000x128xf32> to vector<5000x256xf32>
    %slice3A_8 = vector.extract_strided_slice %slice3A {offsets = [0, 0], sizes = [5000, 64], strides = [1, 1]} : vector<5000x128xf32> to vector<5000x64xf32>
    %slice3A_9 = vector.extract_strided_slice %reshape3A {offsets = [0, 0], sizes = [5000, 128], strides = [1, 1]} : vector<5000x256xf32> to vector<5000x128xf32>
    %dot_general3A = arith.constant dense<0.000000e+00> : vector<64x128xf32>
    %dot_general3A_10 = tpu.matmul %slice3A_8, %slice3A_9, %dot_general3A {dimension_numbers = #tpu.dot_dimension_numbers<[0], [0], [1], [1], [0, 1, 1, 1], [], []>, precision = #tpu.contract_precision<fp32>, transpose_lhs_hint = false} : vector<5000x64xf32>, vector<5000x128xf32>, vector<64x128xf32> -> vector<64x128xf32>
    %slice3A_11 = vector.extract_strided_slice %slice3A {offsets = [0, 64], sizes = [5000, 64], strides = [1, 1]} : vector<5000x128xf32> to vector<5000x64xf32>
    %slice3A_12 = vector.extract_strided_slice %reshape3A {offsets = [0, 128], sizes = [5000, 128], strides = [1, 1]} : vector<5000x256xf32> to vector<5000x128xf32>
    %dot_general3A_13 = arith.constant dense<0.000000e+00> : vector<64x128xf32>
    %dot_general3A_14 = tpu.matmul %slice3A_11, %slice3A_12, %dot_general3A_13 {dimension_numbers = #tpu.dot_dimension_numbers<[0], [0], [1], [1], [0, 1, 1, 1], [], []>, precision = #tpu.contract_precision<fp32>, transpose_lhs_hint = false} : vector<5000x64xf32>, vector<5000x128xf32>, vector<64x128xf32> -> vector<64x128xf32>
    %add3A_15 = arith.addf %dot_general3A_10, %dot_general3A_14 : vector<64x128xf32>
    %get3A_16 = arith.constant 0 : index
    %get3A_17 = arith.constant 0 : index
    %get3A_18 = vector.load %arg3[%get3A_16, %get3A_17] : memref<64x1xf32, #tpu.memory_space<vmem>>, vector<64x1xf32>
    %get3A_19 = arith.constant 0 : index
    %get3A_20 = arith.constant 0 : index
    %get3A_21 = vector.load %arg4[%get3A_19, %get3A_20] : memref<128x128xf32, #tpu.memory_space<vmem>>, vector<128x128xf32>
    %dot_general3A_22 = arith.constant dense<0.000000e+00> : vector<64x128xf32>
    %dot_general3A_23 = tpu.matmul %add3A_15, %get3A_21, %dot_general3A_22 {dimension_numbers = #tpu.dot_dimension_numbers<[1], [1], [0], [0], [0, 0, 1, 0], [], []>, precision = #tpu.contract_precision<fp32>, transpose_lhs_hint = false} : vector<64x128xf32>, vector<128x128xf32>, vector<64x128xf32> -> vector<64x128xf32>
    %get3A_24 = arith.constant 0 : index
    %get3A_25 = arith.constant 0 : index
    %get3A_26 = vector.load %arg2[%get3A_24, %get3A_25] : memref<64x128xf32, #tpu.memory_space<vmem>>, vector<64x128xf32>
    %get3A_27 = arith.constant 0 : index
    %get3A_28 = arith.constant 0 : index
    %get3A_29 = vector.load %arg6[%get3A_27, %get3A_28] : memref<128x128xf32, #tpu.memory_space<vmem>>, vector<128x128xf32>
    %dot_general3A_30 = arith.constant dense<0.000000e+00> : vector<64x128xf32>
    %dot_general3A_31 = tpu.matmul %get3A_26, %get3A_29, %dot_general3A_30 {dimension_numbers = #tpu.dot_dimension_numbers<[1], [1], [0], [0], [0, 0, 1, 0], [], []>, precision = #tpu.contract_precision<fp32>, transpose_lhs_hint = false} : vector<64x128xf32>, vector<128x128xf32>, vector<64x128xf32> -> vector<64x128xf32>
    %add3A_32 = arith.addf %dot_general3A_23, %dot_general3A_31 : vector<64x128xf32>
    %get3A_33 = arith.constant 0 : index
    %get3A_34 = arith.constant 0 : index
    %get3A_35 = vector.load %arg5[%get3A_33, %get3A_34] : memref<1x128xf32, #tpu.memory_space<vmem>>, vector<1x128xf32>
    %mul3A = vector.broadcast %get3A_18 : vector<64x1xf32> to vector<64x128xf32>
    %mul3A_36 = vector.broadcast %get3A_35 : vector<1x128xf32> to vector<64x128xf32>
    %mul3A_37 = arith.mulf %mul3A, %mul3A_36 : vector<64x128xf32>
    %add3A_38 = arith.addf %add3A_32, %mul3A_37 : vector<64x128xf32>
    %max3A = arith.constant 1.000000e+00 : f32
    %max3A_39 = vector.broadcast %max3A : f32 to vector<64x1xf32>
    %max3A_40 = arith.maximumf %get3A_18, %max3A_39 : vector<64x1xf32>
    %div3A = vector.broadcast %max3A_40 : vector<64x1xf32> to vector<64x128xf32>
    %div3A_41 = arith.divf %add3A_38, %div3A : vector<64x128xf32>
    %get3A_42 = arith.constant 0 : index
    %get3A_43 = arith.constant 0 : index
    %get3A_44 = vector.load %arg7[%get3A_42, %get3A_43] : memref<10x128xf32, #tpu.memory_space<vmem>>, vector<10x128xf32>
    %dot_general3A_45 = arith.constant dense<0.000000e+00> : vector<64x10xf32>
    %dot_general3A_46 = tpu.matmul %div3A_41, %get3A_44, %dot_general3A_45 {dimension_numbers = #tpu.dot_dimension_numbers<[1], [1], [0], [0], [0, 0, 1, 0], [], []>, precision = #tpu.contract_precision<fp32>, transpose_lhs_hint = false} : vector<64x128xf32>, vector<10x128xf32>, vector<64x10xf32> -> vector<64x10xf32>
    %get3A_47 = arith.constant 0 : index
    %get3A_48 = arith.constant 0 : index
    %get3A_49 = vector.load %arg8[%get3A_47, %get3A_48] : memref<1x10xf32, #tpu.memory_space<vmem>>, vector<1x10xf32>
    %add3A_50 = vector.broadcast %get3A_49 : vector<1x10xf32> to vector<64x10xf32>
    %add3A_51 = arith.addf %dot_general3A_46, %add3A_50 : vector<64x10xf32>
    %swap3A = arith.constant 0 : index
    %swap3A_52 = arith.constant 0 : index
    %swap3A_53 = vector.load %arg9[%swap3A, %swap3A_52] : memref<64x10xf32, #tpu.memory_space<vmem>>, vector<64x10xf32>
    tpu.vector_store %arg9[%swap3A, %swap3A_52], %add3A_51 {strides = array<i32>} : memref<64x10xf32, #tpu.memory_space<vmem>>, vector<64x10xf32>,
    return
  }
}

module attributes {stable_mosaic.version = 14 : i64} {
  func.func @_pool_a_body(%arg0: memref<10000x128xf32, #tpu.memory_space<vmem>>, %arg1: memref<1x10000xi32, #tpu.memory_space<vmem>>, %arg2: memref<64x128xf32, #tpu.memory_space<vmem>>, %arg3: memref<64x1xf32, #tpu.memory_space<vmem>>) attributes {dimension_semantics = [], scalar_prefetch = 0 : i64, scratch_operands = 0 : i64, tpu.core_type = #tpu.core_type<tc>} {
    %iota3A = tpu.iota {dimensions = array<i32: 0>} : vector<64x10000xi32>
    %get3A = arith.constant 0 : index
    %get3A_0 = arith.constant 0 : index
    %get3A_1 = vector.load %arg1[%get3A, %get3A_0] : memref<1x10000xi32, #tpu.memory_space<vmem>>, vector<1x10000xi32>
    %eq3A = vector.broadcast %get3A_1 : vector<1x10000xi32> to vector<64x10000xi32>
    %eq3A_2 = arith.cmpi eq, %eq3A, %iota3A : vector<64x10000xi32>
    %convert_element_type3A = arith.extui %eq3A_2 : vector<64x10000xi1> to vector<64x10000xi32>
    %convert_element_type3A_3 = arith.sitofp %convert_element_type3A : vector<64x10000xi32> to vector<64x10000xf32>
    %get3A_4 = arith.constant 0 : index
    %get3A_5 = arith.constant 0 : index
    %get3A_6 = vector.load %arg0[%get3A_4, %get3A_5] : memref<10000x128xf32, #tpu.memory_space<vmem>>, vector<10000x128xf32>
    %dot_general3A = arith.constant dense<0.000000e+00> : vector<64x128xf32>
    %dot_general3A_7 = tpu.matmul %convert_element_type3A_3, %get3A_6, %dot_general3A {dimension_numbers = #tpu.dot_dimension_numbers<[1], [0], [0], [1], [0, 0, 1, 1], [], []>, transpose_lhs_hint = false} : vector<64x10000xf32>, vector<10000x128xf32>, vector<64x128xf32> -> vector<64x128xf32>
    %swap3A = arith.constant 0 : index
    %swap3A_8 = arith.constant 0 : index
    %swap3A_9 = vector.load %arg2[%swap3A, %swap3A_8] : memref<64x128xf32, #tpu.memory_space<vmem>>, vector<64x128xf32>
    tpu.vector_store %arg2[%swap3A, %swap3A_8], %dot_general3A_7 {strides = array<i32>} : memref<64x128xf32, #tpu.memory_space<vmem>>, vector<64x128xf32>,
    %reduce_sum3A = arith.constant dense<0.000000e+00> : vector<64xf32>
    %reduce_sum3A_10 = vector.multi_reduction <add>, %convert_element_type3A_3, %reduce_sum3A [1] : vector<64x10000xf32> to vector<64xf32>
    %broadcast_in_dim3A = vector.shape_cast %reduce_sum3A_10 : vector<64xf32> to vector<64x1xf32>
    %swap3A_11 = arith.constant 0 : index
    %swap3A_12 = arith.constant 0 : index
    %swap3A_13 = vector.load %arg3[%swap3A_11, %swap3A_12] : memref<64x1xf32, #tpu.memory_space<vmem>>, vector<64x1xf32>
    tpu.vector_store %arg3[%swap3A_11, %swap3A_12], %broadcast_in_dim3A {strides = array<i32>} : memref<64x1xf32, #tpu.memory_space<vmem>>, vector<64x1xf32>,
    return
  }
}

</mosaic_0001>

<sc_bundles>
// kernel: kernel.5.cloned.1.call-start
scs
__scs_entry_jumppad:
0x0: {  	(pc) =	sbr.rel $0x88, $3  }
0x1: {  	(tag) =	ssettag $0x0;
	lr =	simm.s32 $0x1  }
0x2: {  	[smem:$0x3F99] =	sst lr;
	_ =	strace $0xD0000000  }
0x3: {  	_ = 	snop  }
0x4: {  	_ = 	snop  }
0x5: {  	_ = 	snop  }
0x6: {  	_ = 	snop  }
0x7: {  	_ = 	snop  }
__scs_overlays_trampoline_lowered:
0x8: {  	[smem:$0x3FA8] =	sst s0  }
0x9: {  	[smem:$0x3FA9] =	sst s1  }
0xa: {  	[smem:$0x3FAA] =	sst s2  }
0xb: {  	[smem:$0x3FAB] =	sst s3  }
0xc: {  	[smem:$0x3FAC] =	sst s4  }
0xd: {  	[smem:$0x3FAD] =	sst s5  }
0xe: {  	[smem:$0x3FAE] =	sst s6  }
0xf: {  	[smem:$0x3FAF] =	sst s7  }
0x10: {  	[smem:$0x3FB0] =	sst s8  }
0x11: {  	[smem:$0x3FB1] =	sst s9;
	s0 =	simm.s32 @!p0 $0x0  }
0x12: {  	s1 =	sld [smem:$0x3F97];
	s0 =	simm.s32 @p0 $0x1  }
0x13: {  	[smem:$0x3FB2] =	sst s0;
	s0 =	simm.s32 @!p1 $0x0  }
0x14: {  	s2 =	sld [smem:$0x3F96];
	s0 =	simm.s32 @p1 $0x1  }
0x15: {  	[smem:$0x3FB3] =	sst s0;
	s0 =	simm.s32 @!p2 $0x0  }
0x16: {  	s3 =	sld [smem:$0x3FDB];
	s0 =	simm.s32 @p2 $0x1  }
0x17: {  	s4 =	simm.s32 $0x1BF5;
	[smem:$0x3FB5] =	sst s0  }
0x18: {  	s0 =	sld [smem:$0x3F98];
	_ =	swait.ge [sflag:s4], $0x0  }
0x19: {  	s7 =	sld [smem:$0x3F99]  }
0x1a: {  	s8 =	sadd.s32 $0xFFFFE003, lr  }
0x1b: {  	s9 =	sadd.s32 $0xFFFFFEF7, lr;
	s5 =	simm.s32 $0xFFFFFFFF;
	p2 =	slt.u32 s8, $0xFFFFF086  }
0x1c: {  	p1 =	slt.u32 s9, $0xF7A;
	s5 =	simm.s32 @!p2 $0x0  }
0x1d: {  	s5 =	simm.s32 @p1 $0x1;
	p0 =	seq.s32 s7, s2  }
0x1e: {  	s7 =	smul.u32 @!p0 $0xF7A, s2;
	p2 =	seq.s32 @!p0 s5, $0x0  }
0x1f: {  	s9 =	smul.u32 $0xF7A, s1;
	s8 =	simm.s32 @!p0 $0x1BF5;
	p2 =	por !p2, p0  }
0x20: {  	[sflag:s8] =	ssyncset.s32 @!p0 $0xFFFFF086;
	s6 =	sadd.s32 @!p0 s3, s7;
	s7 =	simm.s32 @!p0 $0x108  }
0x21: {  	s3 =	sadd.s32 s3, s9;
	s6 =	sadd.s32 @!p0 $0x88, s6;
	s7 =	simm.s32 @p2 $0x1082  }
0x22: {  	[simem:s7], [sflag:s8] =	dma.local @!p0 [hbm:s6], $0xF7A  }
0x23: {  	s9 =	sor.u32 $0xD0000000, s2;
	s6 =	simm.s32 $0x108;
	_ =	swait.ge @!p0 [sflag:s8], $0x0  }
0x24: {  	s3 =	sadd.s32 $0x88, s3;
	s6 =	simm.s32 @!p1 $0x1082;
	[sflag:s4] =	ssyncset.s32 $0xFFFFF086  }
0x25: {  	[simem:s6], [sflag:s4] =	dma.local [hbm:s3], $0xF7A  }
0x26: {  	[smem:$0x3F99] =	sst s1;
	(tag) =	ssettag s2;
	_ =	strace s9  }
0x27: {  	s1 =	sld [smem:$0x3FA9]  }
0x28: {  	s2 =	sld [smem:$0x3FAA]  }
0x29: {  	s4 =	sld [smem:$0x3FAC]  }
0x2a: {  	p0 =	seq.s32 s5, $0x0;
	s5 =	sld [smem:$0x3FAD]  }
0x2b: {  	s6 =	sld [smem:$0x3FAE]  }
0x2c: {  	s7 =	sld [smem:$0x3FAF]  }
0x2d: {  	s3 =	simm.s32 $0x108;
	s8 =	sld [smem:$0x3FB0]  }
0x2e: {  	s3 =	simm.s32 @!p0 $0x1082;
	s9 =	sld [smem:$0x3FB1]  }
0x2f: {  	lr =	sadd.s32 s0, s3;
	s0 =	sld [smem:$0x3FA8]  }
0x30: {  	s3 =	sld [smem:$0x3FAB]  }
0x31: {  	[smem:$0x3FB4] =	sst s10  }
0x32: {  	s10 =	sld [smem:$0x3FB2];
	_ =	sdelay $0x3  }
0x33: {  	p0 =	seq.s32 s10, $0x1;
	s10 =	sld [smem:$0x3FB4];
	_ =	sdelay $0x3  }
0x34: {  	[smem:$0x3FB4] =	sst s10  }
0x35: {  	s10 =	sld [smem:$0x3FB3];
	_ =	sdelay $0x3  }
0x36: {  	p1 =	seq.s32 s10, $0x1;
	s10 =	sld [smem:$0x3FB4];
	_ =	sdelay $0x3  }
0x37: {  	[smem:$0x3FB4] =	sst s10  }
0x38: {  	s10 =	sld [smem:$0x3FB5]  }
0x39: {  	_ = 	snop;
	(pc) =	sbr.ind lr, $3  }
0x3a: {  	_ = 	snop  }
0x3b: {  	_ = 	snop  }
0x3c: {  	p2 =	seq.s32 s10, $0x1;
	s10 =	sld [smem:$0x3FB4]  }
0x3d: {  	_ =	shalt  }
0x3e: {  	_ =	shalt  }
0x3f: {  	_ =	shalt  }
0x40: {  	_ =	shalt  }
0x41: {  	_ =	shalt  }
0x42: {  	_ =	shalt  }
0x43: {  	_ =	shalt  }
0x44: {  	_ =	shalt  }
0x45: {  	_ =	shalt  }
0x46: {  	_ =	shalt  }
0x47: {  	_ =	shalt  }
0x48: {  	_ =	shalt  }
0x49: {  	_ =	shalt  }
0x4a: {  	_ =	shalt  }
0x4b: {  	_ =	shalt  }
0x4c: {  	_ =	shalt  }
0x4d: {  	_ =	shalt  }
0x4e: {  	_ =	shalt  }
0x4f: {  	_ =	shalt  }
0x50: {  	_ =	shalt  }
0x51: {  	_ =	shalt  }
0x52: {  	_ =	shalt  }
0x53: {  	_ =	shalt  }
0x54: {  	_ =	shalt  }
0x55: {  	_ =	shalt  }
0x56: {  	_ =	shalt  }
0x57: {  	_ =	shalt  }
0x58: {  	_ =	shalt  }
0x59: {  	_ =	shalt  }
0x5a: {  	_ =	shalt  }
0x5b: {  	_ =	shalt  }
0x5c: {  	_ =	shalt  }
0x5d: {  	_ =	shalt  }
0x5e: {  	_ =	shalt  }
0x5f: {  	_ =	shalt  }
0x60: {  	_ =	shalt  }
0x61: {  	_ =	shalt  }
0x62: {  	_ =	shalt  }
0x63: {  	_ =	shalt  }
0x64: {  	_ =	shalt  }
0x65: {  	_ =	shalt  }
0x66: {  	_ =	shalt  }
0x67: {  	_ =	shalt  }
0x68: {  	_ =	shalt  }
0x69: {  	_ =	shalt  }
0x6a: {  	_ =	shalt  }
0x6b: {  	_ =	shalt  }
0x6c: {  	_ =	shalt  }
0x6d: {  	_ =	shalt  }
0x6e: {  	_ =	shalt  }
0x6f: {  	_ =	shalt  }
0x70: {  	_ =	shalt  }
0x71: {  	_ =	shalt  }
0x72: {  	_ =	shalt  }
0x73: {  	_ =	shalt  }
0x74: {  	_ =	shalt  }
0x75: {  	_ =	shalt  }
0x76: {  	_ =	shalt  }
0x77: {  	_ =	shalt  }
0x78: {  	_ =	shalt  }
0x79: {  	_ =	shalt  }
0x7a: {  	_ =	shalt  }
0x7b: {  	_ =	shalt  }
0x7c: {  	_ =	shalt  }
0x7d: {  	_ =	shalt  }
0x7e: {  	_ =	shalt  }
0x7f: {  	_ =	shalt  }
0x80: {  	_ =	shalt  }
0x81: {  	_ =	shalt  }
0x82: {  	_ =	shalt  }
0x83: {  	_ =	shalt  }
0x84: {  	_ =	shalt  }
0x85: {  	_ =	shalt  }
0x86: {  	_ =	shalt  }
0x87: {  	_ =	shalt  }
.Lfunc_end0:
.L_simem_size_0:
called_computation_lowered:
.L_overlay_start_0:
0x88: {  	s2 =	sld [smem:$0x3FD9]  }
0x89: {  	s3 =	sld [smem:$0x3FFE];
	_ =	sdelay $0x1  }
0x8a: {  	s1 =	srdreg.scid  }
0x8b: {  	s0 =	sand.u32 $0x1, s1  }
0x8c: {  	s17 =	sshll.u32 s0, $0xA;
	s2 =	sadd.s32 s3, s2  }
0x8d: {  	s2 =	sadd.s32 s2, s17  }
0x8e: {  	[smem:$0x3FC0] =	sst s2  }
0x8f: {  	_ = 	snop  }
0x90: {  	s2 =	sld [smem:$0x3FC8]  }
0x91: {  	s18 =	sld [smem:$0x3FC7];
	(tm) =	ssettm $0x1  }
0x92: {  	s4 =	sld [smem:$0x3FFB];
	_ =	sdelay $0x3  }
0x93: {  	_ =	strace s4  }
0x94: {  	s4 =	sld [smem:$0x3FFC];
	_ =	sdelay $0x3  }
0x95: {  	_ =	strace s4  }
0x96: {  	s4 =	sld [smem:$0x3FFD];
	_ =	sdelay $0x3  }
0x97: {  	_ =	strace s4  }
0x98: {  	_ =	strace $0x8FFFFFFF  }
0x99: {  	s19 =	sld [smem:$0x3FDB];
	_ =	sdelay $0x1  }
0x9a: {  	s5 =	simm.s32 $_scs_section_size  }
0x9b: {  	s6 =	simm.s32 $_size__tile_overlayer_lowered;
	s7 =	simm.s32 $_tile_overlayer_lowered  }
0x9c: {  	s22 =	simm.s32 $0x1BFF;
	s21 =	sshll.u32 s7, $0x1;
	s4 =	sadd.s32 s5, s19  }
0x9d: {  	s8 =	simm.s32 $0x0;
	s20 =	sshll.u32 s6, $0x1;
	s6 =	sadd.s32 s21, s4  }
0x9e: {  	[timem:s8], [sflag:s22] =	dma.local [hbm:s6], s20  }
0x9f: {  	_ =	swait.ge [sflag:s22], s20  }
0xa0: {  	s5 =	ssub.s32 $0x0, s20;
	[sflag:s22] =	ssyncset.done $0x0  }
0xa1: {  	[sflag:s22] =	ssyncadd.s32 s5;
	_ =	sdelay $0x1  }
0xa2: {  	s23 =	simm.s32 $0x1B8B  }
0xa3: {  	_ =	swait.ge [sflag:s23], $0x1  }
0xa4: {  	[sflag:s23] =	ssyncset.done $0x0  }
0xa5: {  	s25 =	simm.s32 $0x1B8E;
	s24 =	sld [smem:$0x3FFE];
	[sflag:s23] =	ssyncadd.s32 $0xFFFFFFFF  }
0xa6: {  	s26 =	simm.s32 $execute0_lowered;
	[smem:$0x3FD2] =	sst s25  }
0xa7: {  	s6 =	sshll.u32 s26, $0x1;
	_ =	strace $0x80000046;
	[dreg:$0x1] =	wrdreg $0xFFFFFFFF  }
0xa8: {  	s28 =	simm.s32 $_size_execute0_lowered;
	s4 =	sadd.s32 s4, s6;
	[dreg:$0x0] =	wrdreg $0x0  }
0xa9: {  	s6 =	sshll.u32 s28, $0x1;
	[dreg:$0x2] =	wrdreg s4  }
0xaa: {  	[dreg:$0x3] =	wrdreg s6  }
0xab: {  	[dreg:$0x4] =	wrdreg $0xC0  }
0xac: {  	_ =	task [dreg:s8], $0x5FFFF  }
0xad: {  	[dreg:$0x1] =	wrdreg $0xFFFFFFFF  }
0xae: {  	[dreg:$0x0] =	wrdreg $0x60  }
0xaf: {  	[dreg:$0x2] =	wrdreg s2  }
0xb0: {  	[dreg:$0x3] =	wrdreg s18  }
0xb1: {  	[dreg:$0x4] =	wrdreg s24  }
0xb2: {  	[dreg:$0x5] =	wrdreg $0x142000  }
0xb3: {  	[dreg:$0x6] =	wrdreg $0x9  }
0xb4: {  	_ =	task.clear_ibuf [dreg:s8], $0x7FFFF;
	_ =	strace $0x90000046  }
0xb5: {  	s29 =	simm.s32 $0x9;
	_ =	strace $0x80000048  }
0xb6: {  	_ =	swait.ge [sflag:s29], $0x1  }
0xb7: {  	[sflag:s29] =	ssyncadd.s32 $0xFFFFFFFF  }
0xb8: {  	_ =	strace $0x90000048  }
0xb9: {  	_ =	sfence  }
0xba: {  	s30 =	sld [smem:$0x0];
	_ =	sdelay $0x2  }
0xbb: {  	s31 =	sshll.u32 s1, $0xD;
	s1 =	sshrl.u32 s1, $0x2  }
0xbc: {  	s3 =	sand.u32 $0x4000, s31;
	s1 =	sadd.s32 s1, s30  }
0xbd: {  	s0 =	sor.u32 s3, s0;
	s1 =	sshll.u32 s1, $0x11  }
0xbe: {  	s0 =	sor.u32 s1, s0  }
0xbf: {  	s0 =	sadd.s32 $0x8F2B, s0  }
0xc0: {  	[sflag:s0] =	ssyncadd.remote.s32 $0x1  }
0xc1: {  	_ =	sfence.sel $0xFFFF  }
0xc2: {  	[dreg:$0x0] =	wrdreg $0xFFFFFFFF;
	(pc) =	sbr.abs _section_cstart, $3  }
0xc3: {  	[dreg:$0x1] =	wrdreg $0xFFFFFFFF  }
0xc4: {  	_ =	task.clear_ibuf [dreg:s8], $0x2FFFF;
	_ =	strace $0x9FFFFFFF  }
0xc5: {  	(tm) =	ssettm $0x7FFFFFFF  }
tec
execute0_lowered:
.L_overlay_start_1:
0x0: {  	(tag) =	ssettag $0x1  }
0x1: {  	s5 =	rddreg [dreg:$0x0]  }
0x2: {  	s2 =	srdreg.scid;
	s1 =	rddreg [dreg:$0x1]  }
0x3: {  	s0 =	stileid.u32;
	s7 =	rddreg [dreg:$0x2]  }
0x4: {  	s3 =	rddreg [dreg:$0x3];
	s4 =	simm.s32 $0x0;
	s14 =	simm.s32 $0x80  }
0x5: {  	s13 =	simm.s32 $0x3;
	s31 =	simm.s32 $0xA180;
	s8 =	smul.u32 $0xA000, s0  }
0x6: {  	s15 =	simm.s32 $0x0;
	s6 =	sand.u32 $0x1, s2;
	s12 =	smul.u32 $0x2710, s0  }
0x7: {  	[smem:$0x7FF] =	sst s4;
	s2 =	sshll.u32 s6, $0x4;
	s9 =	smul.u32 $0xA0000, s6  }
0x8: {  	s11 =	smul.u32 $0x27100, s6;
	s10 =	sor.u32 s0, s2;
	s2 =	rddreg [dreg:$0x4]  }
0x9: {  	s6 =	ssub.s32 $0x2, s6;
	_ =	strace $0x80000047;
	[dreg:$0x7] =	wrdreg s14  }
0xa: {  	s28 =	sshrl.u32 s6, $0x1;
	[dreg:$0x6] =	wrdreg s31;
	s14 =	simm.s32 $0x1  }
0xb: {  	s10 =	smul.u32 $0x2710, s10;
	s9 =	sadd.s32 s8, s9;
	s11 =	sadd.s32 s12, s11  }
0xc: {  	s12 =	simm.s32 $0x2;
	s9 =	sshrl.u32 s9, $0x3;
	s30 =	sand.u32 $0x7FF80, s11  }
0xd: {  	s7 =	sadd.s32 s9, s7;
	s26 =	sand.u32 $0x7FF80, s10;
	s10 =	ssub.s32 s6, s28  }
0xe: {  	s6 =	sadd.s32 s8, s3;
	s9 =	smin.u32 s26, $0x4B900;
	s7 =	sadd.s32 $0x1600, s7  }
0xf: {  	s8 =	smax.u32 s10, $0x1;
	s29 =	sshrl.u32 s9, $0x2;
	s9 =	smin.u32 s30, $0x4B900  }
0x10: {  	s10 =	simm.s32 $0xA200;
	s5 =	sadd.s32 s5, s29;
	s9 =	ssub.s32 s11, s9  }
0x11: {  	v0 =	vimm.f32 $1.000000000e+00;
	v1 =	vimm.f32 $0.0e+00;
	s11 =	simm.s32 $0x4;
	[dreg:$0x5] =	wrdreg s9;
	s9 =	simm.s32 $0x2780  }
.LBB2_1:
0x12: {  	[tilespmem:s4], [sflag:$0x2] =	stream.linear.gather [hbm4b:s1+s4], $0x2780, $0x38;
	[tilespmem:$0x1E200] =	vst v63  }
0x13: {  	_ = 	snop  }
0x14: {  	[tilespmem:s9], [sflag:$0x3] =	stream.linear.gather [hbm4b:s5+s4], $0x5200, $0x38;
	[tilespmem:$0x1E200] =	vst v63  }
0x15: {  	[tilespmem:$0xA180] =	vst v0  }
0x16: {  	[tilespmem:$0xA190] =	vst v0  }
0x17: {  	[tilespmem:$0xA1A0] =	vst v0  }
0x18: {  	[tilespmem:$0xA1B0] =	vst v0  }
0x19: {  	[tilespmem:$0xA1C0] =	vst v0  }
0x1a: {  	[tilespmem:$0xA1D0] =	vst v0  }
0x1b: {  	[tilespmem:$0xA1E0] =	vst v0  }
0x1c: {  	s16 =	simm.s32 $0xA240;
	[tilespmem:$0xA1F0] =	vst v0  }
0x1d: {  	[tilespmem:s16+$0xFFFFFFC0] =	vst v1  }
0x1e: {  	[tilespmem:s16+$0x30] =	vst v1  }
0x1f: {  	[tilespmem:s16+$0x20] =	vst v1  }
0x20: {  	[tilespmem:s16+$0x10] =	vst v1  }
0x21: {  	[tilespmem:s16+$0x0] =	vst v1  }
0x22: {  	[tilespmem:s16+$0xFFFFFFF0] =	vst v1  }
0x23: {  	s17 =	simm.s32 $0x0;
	[tilespmem:s16+$0xFFFFFFE0] =	vst v1  }
.LBB2_2:
0x24: {  	s17 =	sadd.s32 $0x8, s17;
	[tilespmem:s16+$0xFFFFFFD0] =	vst v1;
	s16 =	sadd.s32 $0x80, s16  }
0x25: {  	[tilespmem:s16+$0xFFFFFFC0] =	vst v1;
	p0 =	slt.u32 s17, $0x9F8  }
0x26: {  	[tilespmem:s16+$0x30] =	vst v1  }
.Ltmp0:
0x27: {  	[tilespmem:s16+$0x20] =	vst v1;
	(pc) =	sbr.rel @p0 .LBB2_2-.Ltmp0, $4  }
0x28: {  	[tilespmem:s16+$0x10] =	vst v1  }
0x29: {  	[tilespmem:s16+$0x0] =	vst v1  }
0x2a: {  	[tilespmem:s16+$0xFFFFFFF0] =	vst v1  }
0x2b: {  	[tilespmem:s16+$0xFFFFFFE0] =	vst v1  }
0x2c: {  	[tilespmem:s16+$0xFFFFFFD0] =	vst v1  }
0x2d: {  	[spmem:s6] =	stream.linear.scatter [tilespmem:s10], [sflag:$0x4], $0xA000, $0x38;
	[tilespmem:$0x1E200] =	vst v63  }
0x2e: {  	_ =	swait.ge [sflag:s11], $0xA000  }
0x2f: {  	[sflag:s11] =	ssyncset.done $0x0  }
0x30: {  	[sflag:s11] =	ssyncadd.s32 $0xFFFF6000  }
0x31: {  	_ =	swait.ge [sflag:s12], $0x2780  }
0x32: {  	[sflag:s12] =	ssyncset.done $0x0  }
0x33: {  	[sflag:s12] =	ssyncadd.s32 $0xFFFFD880  }
0x34: {  	_ =	swait.ge [sflag:s13], $0x5200  }
0x35: {  	[sflag:s13] =	ssyncset.done $0x0  }
0x36: {  	[sflag:s13] =	ssyncadd.s32 $0xFFFFAE00  }
0x37: {  	s16 =	simm.s32 $0x0;
	s17 =	simm.s32 $0x7980;
	[bflag:$0x0] =	sbarrier.arrive $0xFFFF  }
.LBB2_4:
0x38: {  	s18 =	rddreg [dreg:$0x5]  }
0x39: {  	s18 =	sadd.s32 s16, s18  }
0x3a: {  	p0 =	slt.s32 s18, $0x28F0;
	s19 =	smov.u32 s18  }
0x3b: {  	s19 =	simm.s32 @!p0 $0x28F0  }
0x3c: {  	s20 =	sshll.u32 s19, $0x1  }
0x3d: {  	s19 =	sand.u32 $0x70, s19;
	s20 =	sand.u32 $0xFFFFFF00, s20  }
0x3e: {  	s19 =	sor.u32 s19, s20  }
0x3f: {  	v2 =	vld [tilespmem:s19+$0x2800];
	_ =	sdelay $0x6  }
0x40: {  	v3 =	vld [tilespmem:s19+$0x2780]  }
0x41: {  	v2 =	vld.idx.msk [tilespmem:v2+s4+$0x0], $0xffff;
	_ =	sdelay $0x1  }
0x42: {  	s19 =	sadd.s32 $0x10, s18  }
0x43: {  	p0 =	slt.s32 s19, $0x28F0  }
0x44: {  	s19 =	simm.s32 @!p0 $0x28F0;
	v3 =	vshll.u32 v3, $0x6  }
0x45: {  	p5 =	slt.u32 s16, $0x2710;
	s25 =	sshll.u32 s19, $0x1;
	v2 =	vadd.s32 v3, v2  }
0x46: {  	s19 =	sand.u32 $0x70, s19;
	s20 =	sand.u32 $0xFFFFFF00, s25;
	v2 =	vpsel !p5, $0x9FFFF, v2  }
0x47: {  	s19 =	sor.u32 s19, s20;
	[tilespmem:s17+$0x0] =	vst v2  }
0x48: {  	v2 =	vld [tilespmem:s19+$0x2800];
	_ =	sdelay $0x6  }
0x49: {  	v3 =	vld [tilespmem:s19+$0x2780]  }
0x4a: {  	v2 =	vld.idx.msk [tilespmem:v2+s4+$0x0], $0xffff;
	_ =	sdelay $0x1  }
0x4b: {  	s19 =	sadd.s32 $0x20, s18  }
0x4c: {  	p0 =	slt.s32 s19, $0x28F0  }
0x4d: {  	s26 =	sadd.s32 $0x10, s16;
	s19 =	simm.s32 @!p0 $0x28F0;
	v3 =	vshll.u32 v3, $0x6  }
0x4e: {  	p6 =	slt.u32 s26, $0x2710;
	s28 =	sshll.u32 s19, $0x1;
	v2 =	vadd.s32 v3, v2  }
0x4f: {  	s19 =	sand.u32 $0x70, s19;
	s20 =	sand.u32 $0xFFFFFF00, s28;
	v2 =	vpsel !p6, $0x9FFFF, v2  }
0x50: {  	s19 =	sor.u32 s19, s20;
	[tilespmem:s17+$0x10] =	vst v2  }
0x51: {  	v2 =	vld [tilespmem:s19+$0x2800];
	_ =	sdelay $0x6  }
0x52: {  	v3 =	vld [tilespmem:s19+$0x2780]  }
0x53: {  	v2 =	vld.idx.msk [tilespmem:v2+s4+$0x0], $0xffff;
	_ =	sdelay $0x1  }
0x54: {  	s19 =	sadd.s32 $0x30, s18  }
0x55: {  	p0 =	slt.s32 s19, $0x28F0  }
0x56: {  	s29 =	sadd.s32 $0x20, s16;
	s19 =	simm.s32 @!p0 $0x28F0;
	v3 =	vshll.u32 v3, $0x6  }
0x57: {  	p1 =	slt.u32 s29, $0x2710;
	s30 =	sshll.u32 s19, $0x1;
	v2 =	vadd.s32 v3, v2  }
0x58: {  	s19 =	sand.u32 $0x70, s19;
	s20 =	sand.u32 $0xFFFFFF00, s30;
	v2 =	vpsel !p1, $0x9FFFF, v2  }
0x59: {  	s19 =	sor.u32 s19, s20;
	[tilespmem:s17+$0x20] =	vst v2  }
0x5a: {  	v2 =	vld [tilespmem:s19+$0x2800];
	_ =	sdelay $0x6  }
0x5b: {  	v3 =	vld [tilespmem:s19+$0x2780]  }
0x5c: {  	v2 =	vld.idx.msk [tilespmem:v2+s4+$0x0], $0xffff;
	_ =	sdelay $0x1  }
0x5d: {  	s19 =	sadd.s32 $0x40, s18  }
0x5e: {  	p0 =	slt.s32 s19, $0x28F0  }
0x5f: {  	s31 =	sadd.s32 $0x30, s16;
	s19 =	simm.s32 @!p0 $0x28F0;
	v3 =	vshll.u32 v3, $0x6  }
0x60: {  	p2 =	slt.u32 s31, $0x2710;
	s21 =	sshll.u32 s19, $0x1;
	v2 =	vadd.s32 v3, v2  }
0x61: {  	s19 =	sand.u32 $0x70, s19;
	s20 =	sand.u32 $0xFFFFFF00, s21;
	v2 =	vpsel !p2, $0x9FFFF, v2  }
0x62: {  	s19 =	sor.u32 s19, s20;
	[tilespmem:s17+$0x30] =	vst v2  }
0x63: {  	v2 =	vld [tilespmem:s19+$0x2800];
	_ =	sdelay $0x6  }
0x64: {  	v3 =	vld [tilespmem:s19+$0x2780]  }
0x65: {  	v2 =	vld.idx.msk [tilespmem:v2+s4+$0x0], $0xffff;
	_ =	sdelay $0x1  }
0x66: {  	s19 =	sadd.s32 $0x50, s18  }
0x67: {  	p0 =	slt.s32 s19, $0x28F0  }
0x68: {  	s22 =	sadd.s32 $0x40, s16;
	s19 =	simm.s32 @!p0 $0x28F0;
	v3 =	vshll.u32 v3, $0x6  }
0x69: {  	p3 =	slt.u32 s22, $0x2710;
	s23 =	sshll.u32 s19, $0x1;
	v2 =	vadd.s32 v3, v2  }
0x6a: {  	s19 =	sand.u32 $0x70, s19;
	s20 =	sand.u32 $0xFFFFFF00, s23;
	v2 =	vpsel !p3, $0x9FFFF, v2  }
0x6b: {  	s19 =	sor.u32 s19, s20;
	[tilespmem:s17+$0x40] =	vst v2  }
0x6c: {  	v2 =	vld [tilespmem:s19+$0x2800];
	_ =	sdelay $0x6  }
0x6d: {  	v3 =	vld [tilespmem:s19+$0x2780]  }
0x6e: {  	v2 =	vld.idx.msk [tilespmem:v2+s4+$0x0], $0xffff;
	_ =	sdelay $0x1  }
0x6f: {  	s19 =	sadd.s32 $0x60, s18  }
0x70: {  	p0 =	slt.s32 s19, $0x28F0  }
0x71: {  	s24 =	sadd.s32 $0x50, s16;
	s19 =	simm.s32 @!p0 $0x28F0;
	v3 =	vshll.u32 v3, $0x6  }
0x72: {  	p4 =	slt.u32 s24, $0x2710;
	s25 =	sshll.u32 s19, $0x1;
	v2 =	vadd.s32 v3, v2  }
0x73: {  	s19 =	sand.u32 $0x70, s19;
	s20 =	sand.u32 $0xFFFFFF00, s25;
	v2 =	vpsel !p4, $0x9FFFF, v2  }
0x74: {  	s19 =	sor.u32 s19, s20;
	[tilespmem:s17+$0x50] =	vst v2  }
0x75: {  	v2 =	vld [tilespmem:s19+$0x2800];
	_ =	sdelay $0x6  }
0x76: {  	v3 =	vld [tilespmem:s19+$0x2780]  }
0x77: {  	v2 =	vld.idx.msk [tilespmem:v2+s4+$0x0], $0xffff;
	_ =	sdelay $0x1  }
0x78: {  	s18 =	sadd.s32 $0x70, s18  }
0x79: {  	p0 =	slt.s32 s18, $0x28F0  }
0x7a: {  	s26 =	sadd.s32 $0x60, s16;
	s18 =	simm.s32 @!p0 $0x28F0;
	v3 =	vshll.u32 v3, $0x6  }
0x7b: {  	p5 =	slt.u32 s26, $0x2710;
	s28 =	sshll.u32 s18, $0x1;
	v2 =	vadd.s32 v3, v2  }
0x7c: {  	s18 =	sand.u32 $0x70, s18;
	s19 =	sand.u32 $0xFFFFFF00, s28;
	v2 =	vpsel !p5, $0x9FFFF, v2  }
0x7d: {  	s18 =	sor.u32 s18, s19;
	[tilespmem:s17+$0x60] =	vst v2  }
0x7e: {  	v2 =	vld [tilespmem:s18+$0x2800];
	_ =	sdelay $0x6  }
0x7f: {  	v3 =	vld [tilespmem:s18+$0x2780]  }
0x80: {  	v2 =	vld.idx.msk [tilespmem:v2+s4+$0x0], $0xffff;
	_ =	sdelay $0x3  }
0x81: {  	s29 =	sadd.s32 $0x70, s16;
	p0 =	sne.s32 s16, $0x2780;
	v3 =	vshll.u32 v3, $0x6  }
.Ltmp1:
0x82: {  	p6 =	slt.u32 s29, $0x2710;
	v2 =	vadd.s32 v3, v2;
	(pc) =	sbr.rel @p0 .LBB2_4-.Ltmp1, $4  }
0x83: {  	s31 =	rddreg [dreg:$0x7];
	v2 =	vpsel !p6, $0x9FFFF, v2  }
0x84: {  	s30 =	rddreg [dreg:$0x6];
	[tilespmem:s17+$0x70] =	vst v2  }
0x85: {  	[spmem:s3] =	stream.indirect.scatter.add.f32 [tilespmem:s30], [sflag:$0x1], $0x1, s17, s31, $0xb8;
	[tilespmem:$0x1E200] =	vst v63  }
0x86: {  	s16 =	sadd.s32 $0x80, s16;
	s17 =	sadd.s32 $0x80, s17  }
0x87: {  	_ =	swait.ge [sflag:s14], $0x80  }
0x88: {  	s16 =	simm.s32 $0x4F;
	[sflag:s14] =	ssyncset.done $0x0  }
.LBB2_6:
0x89: {  	p0 =	sne.s32 s16, $0x1;
	s16 =	sadd.s32 $0xFFFFFFFF, s16;
	[sflag:s14] =	ssyncadd.s32 $0xFFFFFF80  }
.Ltmp2:
0x8a: {  	(pc) =	sbr.rel @p0 .LBB2_6-.Ltmp2, $3  }
0x8b: {  	_ =	sdelay $0x1  }
0x8c: {  	_ =	swait.ge [sflag:s14], $0x80  }
0x8d: {  	[sflag:s14] =	ssyncset.done $0x0  }
0x8e: {  	[sflag:s14] =	ssyncadd.s32 $0xFFFFFF80;
	s15 =	sadd.s32 $0x1, s15  }
0x8f: {  	s16 =	sshll.u32 s0, $0x6;
	s17 =	sshrl.u32 s6, $0x3;
	p0 =	sne.s32 s15, s8  }
.Ltmp3:
0x90: {  	[bflag:$0x0] =	sbarrier.arrive $0xFFFF;
	s16 =	sor.u32 $0x1C04, s16;
	(pc) =	sbr.rel @p0 .LBB2_1-.Ltmp3, $4  }
0x91: {  	[hbm:s7], [sflag:s16] =	dma.local [spmem:s17], $0x1400  }
0x92: {  	_ =	swait.ge [sflag:s11], $0x1400  }
0x93: {  	[sflag:s11] =	ssyncset.done $0x0  }
0x94: {  	[sflag:s11] =	ssyncadd.s32 $0xFFFFEC00  }
0x95: {  	_ =	sfence.sel $0x180000  }
0x96: {  	[bflag:$0x0] =	sbarrier.arrive $0xFFFF  }
0x97: {  	p0 =	sne.s32 s0, $0x0;
	_ =	strace $0x90000047  }
0x98: {  	s0 =	sadd.s32 @!p0 $0x100000, s2;
	[bflag:$0x2] =	sbarrier.arrive $0xFFFF  }
0x99: {  	[sflag:s0] =	ssyncadd.tile.s32 @!p0 $0x1;
	_ =	shalt  }
.Lfunc_end2:
_tile_overlayer_lowered:
.L_overlay_start_2:
0x9a: {  	(tag) =	ssettag $0x2  }
0x9b: {  	s0 =	rddreg [dreg:$0x0];
	s2 =	stileid.u32  }
0x9c: {  	s1 =	rddreg [dreg:$0x1];
	p0 =	sne.s32 s2, $0x0  }
0x9d: {  	s3 =	rddreg [dreg:$0x2];
	[bflag:$0x3] =	sbarrier.arrive $0xFFFF;
	s2 =	simm.s32 @!p0 $0x1C04  }
0x9e: {  	[timem:s3], [sflag:s2] =	dma.local @!p0 [hbm:s0], s1  }
0x9f: {  	s0 =	simm.s32 @!p0 $0x4  }
0xa0: {  	_ =	swait.ge @!p0 [sflag:s0], s1  }
0xa1: {  	s1 =	ssub.s32 @!p0 $0x0, s1;
	[sflag:s0] =	ssyncset.done @!p0 $0x0  }
0xa2: {  	[sflag:s0] =	ssyncadd.s32 @!p0 s1  }
0xa3: {  	[bflag:$0x3] =	sbarrier.arrive $0xFFFF  }
0xa4: {  	_ =	shalt  }

</sc_bundles>
